<compile_context>
chip_gen: v7x
topology: tpu7x:2x2x1
jax: 0.10.2.dev20260603
libtpu: 0.0.44.dev20260713+nightly
codegen_flags: <defaults>
</compile_context>

<pallas_src>
import functools

import jax
import jax.numpy as jnp
from jax import lax
from jax.experimental import pallas as pl
from jax.experimental.pallas import tpu as pltpu
from jax.experimental.pallas import tpu_sc as plsc
import numpy as np

MIN = float(np.finfo(np.float32).min)
L = 128
NC = 48
E = 96
NN = 32
RPB = 4
RR = RPB * E
NB = RR // RPB
D = 512
NW = 32
NROW = E * L
ROWS_PER_W = NROW // NW
CH = 96


def _col(v_row, n):
    eye = (lax.broadcasted_iota(jnp.int32, (n, n), 0)
           == lax.broadcasted_iota(jnp.int32, (n, n), 1))
    return jnp.sum(jnp.where(eye, v_row, 0), axis=1, keepdims=True)


def _extract_body(ids_ref, lf_ref, lm_ref, ei_ref, nm_ref, em_ref,
                  mcol_ref, sb_ref, mapped_ref, fmask_ref):
    ids_f = ids_ref[...].astype(jnp.float32)
    lf_row = jnp.clip(lf_ref[0:1, :], 8, L)
    lm_row = jnp.minimum(jnp.maximum(lm_ref[0:1, :], 1), lf_row)
    e0_row = ei_ref[0:1, :]
    c_row = ei_ref[1:2, :]
    em_row = em_ref[0:1, :]
    nm_row = nm_ref[0:1, :]

    c_col = _col(c_row, E)
    e0_col = _col(e0_row, E)
    em_col = _col(em_row, E)
    io96r = lax.broadcasted_iota(jnp.int32, (E, E), 1)
    io96c = lax.broadcasted_iota(jnp.int32, (E, E), 0)
    before = (c_row < c_col) | ((c_row == c_col) & (io96r < io96c))
    p_col = jnp.sum(before.astype(jnp.int32), axis=1, keepdims=True)
    io48c96 = lax.broadcasted_iota(jnp.int32, (NC, E), 0)
    io48col = lax.broadcasted_iota(jnp.int32, (NC, 1), 0)
    d_col = jnp.sum((c_row == io48c96).astype(jnp.int32), axis=1,
                    keepdims=True)
    nb_col = jnp.right_shift(d_col, 1) + 1
    eye48 = (lax.broadcasted_iota(jnp.int32, (NC, NC), 0)
             == lax.broadcasted_iota(jnp.int32, (NC, NC), 1))
    nb_row = jnp.sum(jnp.where(eye48, nb_col, 0), axis=0, keepdims=True)
    io48_0 = lax.broadcasted_iota(jnp.int32, (NC, NC), 0)
    io48_1 = lax.broadcasted_iota(jnp.int32, (NC, NC), 1)
    cumnb_col = jnp.sum(jnp.where(io48_1 < io48_0, nb_row, 0), axis=1,
                        keepdims=True)
    io48r96e = lax.broadcasted_iota(jnp.int32, (E, NC), 1)
    cumnb_e = jnp.sum(jnp.where(io48r96e < c_col, nb_row, 0), axis=1,
                      keepdims=True)
    ce_col = jnp.sum((c_row < c_col).astype(jnp.int32), axis=1,
                     keepdims=True)
    pp_col = p_col - ce_col

    row1_col = RPB * cumnb_e + 2 * pp_col
    rowC_col = RPB * cumnb_col + 2 * d_col

    io288r_e = lax.broadcasted_iota(jnp.int32, (E, RR), 1)
    io288r_c = lax.broadcasted_iota(jnp.int32, (NC, RR), 1)
    oh1 = (row1_col == io288r_e)
    oh2 = (row1_col + 1 == io288r_e)
    ohC = (rowC_col == io288r_c)

    def scat_e(mask, val_col):
        return jnp.sum(jnp.where(mask, val_col, 0), axis=0, keepdims=True)

    src_row = (scat_e(oh1, e0_col) + scat_e(oh2, em_col + NC)
               + scat_e(ohC, io48col))
    is_cen_row = scat_e(ohC, jnp.ones((NC, 1), jnp.int32))
    is_run_row = (scat_e(oh1, jnp.ones((E, 1), jnp.int32))
                  + scat_e(oh2, jnp.ones((E, 1), jnp.int32)) + is_cen_row)

    src_col = _col(src_row, RR)
    is_cen_col = _col(is_cen_row, RR)
    is_run_col = _col(is_run_row, RR)

    io48r_rr = lax.broadcasted_iota(jnp.int32, (RR, NC), 1)
    nm_g = jnp.sum(jnp.where(src_col == io48r_rr, nm_row, 0), axis=1,
                   keepdims=True)
    g_col = jnp.where(src_col < NC, nm_g, src_col - (NC - NN))

    io96r_rr = lax.broadcasted_iota(jnp.int32, (RR, E), 1)
    gm = (g_col == io96r_rr)
    lf_g = jnp.sum(jnp.where(gm, lf_row, 0), axis=1, keepdims=True)
    lm_g = jnp.sum(jnp.where(gm, lm_row, 0), axis=1, keepdims=True)
    len_col = jnp.where(is_run_col > 0,
                        jnp.where(is_cen_col > 0, lf_g, lm_g), 0)

    io128 = lax.broadcasted_iota(jnp.int32, (RR, L), 1)
    mcol_ref[...] = jnp.where(
        io128 < len_col, jnp.where(is_cen_col > 0, io128, 0), L)

    nm_col = _col(nm_row, NC)

    ioblk = lax.broadcasted_iota(jnp.int32, (NC, NB), 1)
    memb = (cumnb_col <= ioblk) & (ioblk < cumnb_col + nb_col)

    def scc(val_col):
        return jnp.sum(jnp.where(memb, val_col, 0), axis=0, keepdims=True)

    cov = jnp.sum(memb.astype(jnp.int32), axis=0, keepdims=True)
    corB = scc(io48col) + (NC - 1) * (1 - cov)
    lastB = jnp.sum((ioblk == cumnb_col + nb_col - 1).astype(jnp.int32),
                    axis=0, keepdims=True)
    gqB = scc(nm_col)
    io384_0 = lax.broadcasted_iota(jnp.int32, (RR, NB), 0)
    io384_1 = lax.broadcasted_iota(jnp.int32, (RR, NB), 1)
    gks = []
    for k in range(RPB):
        mk = (io384_0 == RPB * io384_1 + k)
        gks.append(jnp.sum(jnp.where(mk, g_col, 0), axis=0, keepdims=True))
    sb_ref[...] = jnp.concatenate([corB, lastB] + gks + [gqB], axis=0)

    io32r = lax.broadcasted_iota(jnp.int32, (NC, NN), 1)
    ohnm = (nm_col == io32r).astype(jnp.float32)
    mapped_ref[...] = lax.dot_general(
        ohnm, ids_f[:NN, :], (((1,), (0,)), ((), ())),
        preferred_element_type=jnp.float32).astype(jnp.int32)
    io96r_nc = lax.broadcasted_iota(jnp.int32, (NC, E), 1)
    nmm = (nm_col == io96r_nc)
    lm_nm = jnp.sum(jnp.where(nmm, lm_row, 0), axis=1, keepdims=True)
    lf_nm = jnp.sum(jnp.where(nmm, lf_row, 0), axis=1, keepdims=True)
    io128_nc = lax.broadcasted_iota(jnp.int32, (NC, L), 1)
    fmask_ref[...] = ((io128_nc >= lm_nm) & (io128_nc < lf_nm)).astype(jnp.int32)


def _extract(ids, lf, lm, ei, nm, em):
    return pl.pallas_call(
        _extract_body,
        out_shape=[
            jax.ShapeDtypeStruct((RR, L), jnp.int32),
            jax.ShapeDtypeStruct((2 + RPB + 1, NB), jnp.int32),
            jax.ShapeDtypeStruct((NC, L), jnp.int32),
            jax.ShapeDtypeStruct((NC, L), jnp.int32),
        ],
    )(ids, lf.reshape(1, E), lm.reshape(1, E), ei, nm.reshape(1, NC),
      em.reshape(1, E))


def _gather_body(idx_hbm, table_hbm, out_hbm, idx_v, rows_a, rows_b, sem_a,
                 sem_b):
    wid = lax.axis_index("s") * 2 + lax.axis_index("c")
    base = wid * ROWS_PER_W
    nch = ROWS_PER_W // CH
    pltpu.sync_copy(idx_hbm.at[pl.ds(base, ROWS_PER_W)], idx_v)
    bufs = [rows_a, rows_b]
    sems = [sem_a, sem_b]
    cps = [None, None]
    cps[0] = pltpu.async_copy(table_hbm.at[idx_v.at[pl.ds(0, CH)]], rows_a,
                              sem_a)
    for i in range(nch):
        if i + 1 < nch:
            cps[(i + 1) % 2] = pltpu.async_copy(
                table_hbm.at[idx_v.at[pl.ds((i + 1) * CH, CH)]],
                bufs[(i + 1) % 2], sems[(i + 1) % 2])
        cps[i % 2].wait()
        pltpu.sync_copy(bufs[i % 2], out_hbm.at[pl.ds(base + i * CH, CH)])


def _pack_table(W_emb):
    bits = lax.bitcast_convert_type(W_emb, jnp.uint32)
    rne = bits + jnp.uint32(0x7FFF) + ((bits >> 16) & jnp.uint32(1))
    hi = rne >> 16
    packed = hi[:, : D // 2] | (hi[:, D // 2:] << 16)
    return lax.bitcast_convert_type(packed, jnp.int32)


def _gather(ids_flat, W_packed):
    gk = functools.partial(
        pl.kernel,
        out_type=jax.ShapeDtypeStruct((NROW, D // 2), jnp.int32),
        mesh=plsc.VectorSubcoreMesh(core_axis_name="c", subcore_axis_name="s"),
        scratch_types=[
            pltpu.VMEM((ROWS_PER_W,), jnp.int32),
            pltpu.VMEM((CH, D // 2), jnp.int32),
            pltpu.VMEM((CH, D // 2), jnp.int32),
            pltpu.SemaphoreType.DMA,
            pltpu.SemaphoreType.DMA,
        ],
    )(_gather_body)
    return gk(ids_flat, W_packed)


def _unpack(k32):
    lo = lax.bitcast_convert_type(k32 << 16, jnp.float32)
    hi = lax.bitcast_convert_type(
        k32 & jnp.int32(np.int32(np.uint32(0xFFFF0000).view(np.int32))),
        jnp.float32)
    return jnp.concatenate(
        [lo.astype(jnp.bfloat16), hi.astype(jnp.bfloat16)], axis=1)


def _attn_body(sb_ref, kbase_ref, mc_ref, wout_ref, o_ref,
               sA, sB, mstat, lstat, acc):
    inv = 1.0 / float(np.sqrt(D))

    def step(b, carry):
        _attn_step(b, sb_ref, kbase_ref, mc_ref, wout_ref, o_ref,
                   sA, sB, mstat, lstat, acc, inv)
        return carry

    lax.fori_loop(0, NB + 1, step, jnp.int32(0))


def _attn_step(b, sb_ref, kbase_ref, mc_ref, wout_ref, o_ref,
               sA, sB, mstat, lstat, acc, inv):
    par = lax.rem(b, 2)
    even = par == 0

    s_even = sA[...]
    s_odd = sB[...]

    ba = jnp.minimum(b, NB - 1)
    q = _unpack(kbase_ref[sb_ref[6, ba]])
    kk = jnp.concatenate(
        [_unpack(kbase_ref[sb_ref[2, ba]]), _unpack(kbase_ref[sb_ref[3, ba]]),
         _unpack(kbase_ref[sb_ref[4, ba]]), _unpack(kbase_ref[sb_ref[5, ba]])],
        axis=0)
    s = lax.dot_general(q, kk, (((1,), (1,)), ((), ())),
                        preferred_element_type=jnp.float32) * inv
    sA[...] = jnp.where(even, s, s_even)
    sB[...] = jnp.where(even, s_odd, s)

    valid = b > 0
    j = jnp.maximum(b - 1, 0)
    cb = sb_ref[0, j]
    first = (j == 0) | (cb != sb_ref[0, jnp.maximum(j - 1, 0)])
    kkj = jnp.concatenate(
        [_unpack(kbase_ref[sb_ref[2, j]]), _unpack(kbase_ref[sb_ref[3, j]]),
         _unpack(kbase_ref[sb_ref[4, j]]), _unpack(kbase_ref[sb_ref[5, j]])],
        axis=0)
    mc = mc_ref[j]
    mcat = jnp.concatenate(
        [mc[0:1, :], mc[1:2, :], mc[2:3, :], mc[3:4, :]], axis=1)
    qio = lax.broadcasted_iota(jnp.int32, (L, RPB * L), 0)
    sj = jnp.where(valid & (mcat <= qio), jnp.where(even, s_odd, s_even), MIN)
    m_prev = jnp.where(first, MIN, mstat[...])
    l_prev = jnp.where(first, 0.0, lstat[...])
    a_prev = jnp.where(first, 0.0, acc[...])
    m_new = jnp.maximum(m_prev, jnp.max(sj, axis=1, keepdims=True))
    alpha = jnp.exp(m_prev - m_new)
    p = jnp.where(valid, jnp.exp(sj - m_new), 0.0)
    l_new = alpha * l_prev + jnp.sum(p, axis=1, keepdims=True)
    a_new = (alpha * a_prev
             + lax.dot_general(p.astype(jnp.bfloat16), kkj,
                               (((1,), (0,)), ((), ())),
                               preferred_element_type=jnp.float32))
    mstat[...] = m_new
    lstat[...] = l_new
    acc[...] = a_new
    o_ref[cb] = lax.dot_general((a_new * (1.0 / l_new)).astype(jnp.bfloat16),
                                wout_ref[...].astype(jnp.bfloat16),
                                (((1,), (0,)), ((), ())),
                                preferred_element_type=jnp.float32)


def _attn(Kbase, mcol3, W_out, sb):
    return pl.pallas_call(
        _attn_body,
        in_specs=[
            pl.BlockSpec(memory_space=pltpu.SMEM),
            pl.BlockSpec((E, L, D // 2), lambda: (0, 0, 0)),
            pl.BlockSpec((NB, RPB, L), lambda: (0, 0, 0)),
            pl.BlockSpec((D, D), lambda: (0, 0)),
        ],
        out_specs=pl.BlockSpec((NC, L, D), lambda: (0, 0, 0)),
        scratch_shapes=[
            pltpu.VMEM((L, RPB * L), jnp.float32),
            pltpu.VMEM((L, RPB * L), jnp.float32),
            pltpu.VMEM((L, 1), jnp.float32),
            pltpu.VMEM((L, 1), jnp.float32),
            pltpu.VMEM((L, D), jnp.float32),
        ],
        out_shape=jax.ShapeDtypeStruct((NC, L, D), jnp.float32),
    )(sb, Kbase, mcol3, W_out)


def kernel(input_ids, len_full, len_masked, edge_index, node_map, edge_map,
           W_emb, W_out):
    ids = input_ids.astype(jnp.int32)
    mcol, sb, mapped_ids, fmask = _extract(
        ids, len_full.astype(jnp.int32), len_masked.astype(jnp.int32),
        edge_index.astype(jnp.int32), node_map.astype(jnp.int32),
        edge_map.astype(jnp.int32))
    Kflat = _gather(ids.reshape(NROW), _pack_table(W_emb))
    Kbase = Kflat.reshape(E, L, D // 2)
    mcol3 = mcol.reshape(NB, RPB, L)
    logits = _attn(Kbase, mcol3, W_out, sb)
    return (logits[:, :-1, :], mapped_ids[:, 1:], fmask[:, 1:] != 0)

# --- scband reference (transcript-rebuilt; emitter-appended) ---
"""Pipeline reference for scband-mplmhelper-549755814000 (READ-ONLY COPY).

The authoritative reference and input builder live on the scoring server;
editing this copy changes nothing except your own understanding.
"""

import jax, jax.numpy as jnp
import numpy as np

NUM_NODE_FEAT = 32
MIN = float(np.finfo(np.float32).min)


def mplm_4d_causal(max_size, all_size, center_size):
    causal = np.zeros((max_size, all_size - center_size), dtype=np.float32)
    m = np.full((max_size, max_size), MIN, dtype=np.float32)
    r = np.arange(max_size)
    m[r[None, :] <= r[:, None]] = 0.0
    return np.concatenate([causal, m[:, :center_size]], axis=-1)


def setup_inputs(seed: int = 0):
    key = jax.random.key(seed)
    ks = jax.random.split(key, 8)
    input_ids = jax.random.randint(ks[0], (96, 128), 0, 8192, dtype=jnp.int64) if jax.config.jax_enable_x64 else jax.random.randint(ks[0], (96, 128), 0, 8192, dtype=jnp.int32)
    len_full = jax.random.randint(ks[1], (96,), 0, 128)
    len_masked = jax.random.randint(ks[2], (96,), 0, 128)
    edge_index = jax.random.randint(ks[3], (2, 96), 0, 48)
    node_map = jax.random.randint(ks[4], (48,), 0, 32)
    edge_map = jax.random.randint(ks[5], (96,), 0, 64)
    W_emb = jax.random.normal(ks[6], (8192, 512), dtype=jnp.float32)
    W_out = jax.random.normal(ks[7], (512, 512), dtype=jnp.float32) * 0.05
    return {"input_ids": input_ids, "len_full": len_full, "len_masked": len_masked,
            "edge_index": edge_index, "node_map": node_map, "edge_map": edge_map,
            "W_emb": W_emb, "W_out": W_out}


def _build_extracts(ids, lf, lm, ei, nm, em):
    Nseq, L = ids.shape
    lf = jnp.clip(lf, 8, L)
    lm = jnp.minimum(jnp.clip(lm, 1, None), lf)
    ar = jnp.arange(L)
    full_mask = (ar[None, :] < lf[:, None]).astype(jnp.int32)
    masked_mask = (ar[None, :] < lm[:, None]).astype(jnp.int32)
    mf = jnp.concatenate([masked_mask[:NUM_NODE_FEAT][nm], masked_mask[NUM_NODE_FEAT:]], 0)
    mff = jnp.concatenate([full_mask[:NUM_NODE_FEAT][nm], full_mask[NUM_NODE_FEAT:]], 0)
    mapped_ids = ids[:NUM_NODE_FEAT][nm]
    cont_ids = jnp.concatenate([mapped_ids, ids[NUM_NODE_FEAT:]], 0)
    n_node = nm.shape[0]
    pseudo = jnp.stack([ei[0], em + n_node, ei[1]], 0)
    final_mask = jnp.logical_xor(mf.astype(bool), mff.astype(bool))
    return cont_ids, mapped_ids, mf, mff, pseudo, final_mask, n_node


def reference(input_ids, len_full, len_masked, edge_index, node_map, edge_map, W_emb, W_out):
    ids = input_ids
    lf = len_full
    lm = len_masked
    ei = edge_index
    nm = node_map
    em = edge_map
    cont_ids, mapped_ids, mf, mff, pseudo, final_mask, n_node = _build_extracts(ids, lf, lm, ei, nm, em)
    d = W_emb.shape[1]
    emb = W_emb[cont_ids]
    L = ids.shape[1]
    E = ei.shape[1]
    T = (2 * E + 1) * L
    n_total = mf.shape[0]
    nb_flat = pseudo[:2].T.reshape(-1)
    seg = jnp.arange(T) // L
    colv = (jnp.arange(T) % L).astype(jnp.int32)
    lidx = jnp.arange(L)[:, None]
    scale = jnp.sqrt(jnp.float32(d))

    def per_node(i):
        valid = jnp.repeat(pseudo[2] == i, 2)
        nb_all = jnp.concatenate([nb_flat, i[None].astype(nb_flat.dtype)])
        masks_nb = mf[nb_flat] * valid.astype(mf.dtype)[:, None]
        allm = jnp.concatenate([masks_nb, mff[i][None]], 0)
        flat = allm.reshape(-1) > 0
        dest = jnp.where(flat, jnp.cumsum(flat) - 1, T)
        Ri = jnp.zeros((T,), dtype=jnp.int32).at[dest].set(nb_all[seg].astype(jnp.int32), mode='drop')
        Ci = jnp.zeros((T,), dtype=jnp.int32).at[dest].set(colv, mode='drop')
        all_size = flat.sum()
        c_size = allm[-1].sum()
        off = all_size - c_size
        t = jnp.arange(T)[None, :]
        CMi = jnp.where(t < off, 0.0,
                        jnp.where((t < all_size) & (t - off <= lidx), 0.0, MIN)).astype(jnp.float32)
        keys = emb[Ri, Ci]
        scores = emb[i] @ keys.T / scale + CMi
        attn = jax.nn.softmax(scores, axis=-1)
        ctx = attn @ keys
        return ctx @ W_out

    logits = jax.lax.map(per_node, jnp.arange(n_total))
    return (logits[:n_node, :-1], mapped_ids[:, 1:], final_mask[:n_node, 1:])

if __name__ == "__main__":
    import jax
    _d = setup_inputs()
    print(jax.jit(kernel)(*tuple(_d.values())))

</pallas_src>

<mosaic_0001>
#map = affine_map<(d0, d1) -> (0)>
#map1 = affine_map<(d0, d1) -> (0, 0)>
module attributes {stable_mosaic.version = 14 : i64} {
  func.func @_gather_body(%arg0: i32, %arg1: i32, %arg2: memref<12288xi32, #tpu.memory_space<hbm>>, %arg3: memref<8192x256xi32, #tpu.memory_space<hbm>>, %arg4: memref<12288x256xi32, #tpu.memory_space<hbm>>, %arg5: memref<384xi32, #tpu.memory_space<vmem>>, %arg6: memref<96x256xi32, #tpu.memory_space<vmem>>, %arg7: memref<96x256xi32, #tpu.memory_space<vmem>>, %arg8: memref<!tpu.dma_semaphore, #tpu.memory_space<semaphore_mem>>, %arg9: memref<!tpu.dma_semaphore, #tpu.memory_space<semaphore_mem>>) attributes {dimension_semantics = [#tpu.dimension_semantics<core_parallel>, #tpu.dimension_semantics<subcore_parallel>], iteration_bounds = array<i64: 2, 16>, scalar_prefetch = 0 : i64, scratch_operands = 5 : i64, tpu.core_type = #tpu.core_type<sc_vector_subcore>, window_params = [{transform_indices = #map}, {transform_indices = #map1}, {transform_indices = #map1}]} {
    %mul3A = arith.constant 2 : i32
    %mul3A_0 = arith.muli %arg1, %mul3A : i32
    %add3A = arith.addi %mul3A_0, %arg0 : i32
    %mul3A_1 = arith.constant 384 : i32
    %mul3A_2 = arith.muli %add3A, %mul3A_1 : i32
    "tpu.region"() ({
      %run_scoped3A = tpu.sem_alloc : memref<!tpu.dma_semaphore, #tpu.memory_space<semaphore_mem>>
      %dma_start3A_49 = tpu.memref_slice %arg2[%mul3A_2] : memref<12288xi32, #tpu.memory_space<hbm>> -> memref<384xi32, #tpu.memory_space<hbm>>
      %dma_start3A_50 = tpu.memref_slice %arg2[%mul3A_2] : memref<12288xi32, #tpu.memory_space<hbm>> -> memref<384xi32, #tpu.memory_space<hbm>>
      tpu.enqueue_dma source(%dma_start3A_50 : memref<384xi32, #tpu.memory_space<hbm>>) target(%arg5 : memref<384xi32, #tpu.memory_space<vmem>>) target_semaphore(%run_scoped3A : memref<!tpu.dma_semaphore, #tpu.memory_space<semaphore_mem>>)
      %dma_wait3A_51 = tpu.memref_slice %arg2[%mul3A_2] : memref<12288xi32, #tpu.memory_space<hbm>> -> memref<384xi32, #tpu.memory_space<hbm>>
      %dma_wait3A_52 = tpu.memref_slice %arg2[%mul3A_2] : memref<12288xi32, #tpu.memory_space<hbm>> -> memref<384xi32, #tpu.memory_space<hbm>>
      tpu.wait_dma2 semaphore(%run_scoped3A : memref<!tpu.dma_semaphore, #tpu.memory_space<semaphore_mem>>) src(%dma_wait3A_52 : memref<384xi32, #tpu.memory_space<hbm>>) dst(%arg5 : memref<384xi32, #tpu.memory_space<vmem>>)
      tpu.yield
    }) : () -> ()
    %dma_start3A = arith.constant 0 : i32
    %dma_start3A_3 = tpu.memref_slice %arg5[%dma_start3A] : memref<384xi32, #tpu.memory_space<vmem>> -> memref<96xi32, #tpu.memory_space<vmem>>
    %dma_start3A_4 = arith.constant 0 : i32
    %dma_start3A_5 = arith.constant 0 : i32
    %dma_start3A_6 = tpu.memref_slice %arg3[%dma_start3A_4, %dma_start3A_5] : memref<8192x256xi32, #tpu.memory_space<hbm>> -> memref<8192x256xi32, #tpu.memory_space<hbm>>
    tpu.enqueue_indirect_dma source(%dma_start3A_6 : memref<8192x256xi32, #tpu.memory_space<hbm>>) target(%arg6 : memref<96x256xi32, #tpu.memory_space<vmem>>) offsets(%dma_start3A_3 : memref<96xi32, #tpu.memory_space<vmem>>) semaphore(%arg8 : memref<!tpu.dma_semaphore, #tpu.memory_space<semaphore_mem>>)
    %dma_start3A_7 = arith.constant 96 : i32
    %dma_start3A_8 = tpu.memref_slice %arg5[%dma_start3A_7] : memref<384xi32, #tpu.memory_space<vmem>> -> memref<96xi32, #tpu.memory_space<vmem>>
    %dma_start3A_9 = arith.constant 0 : i32
    %dma_start3A_10 = arith.constant 0 : i32
    %dma_start3A_11 = tpu.memref_slice %arg3[%dma_start3A_9, %dma_start3A_10] : memref<8192x256xi32, #tpu.memory_space<hbm>> -> memref<8192x256xi32, #tpu.memory_space<hbm>>
    tpu.enqueue_indirect_dma source(%dma_start3A_11 : memref<8192x256xi32, #tpu.memory_space<hbm>>) target(%arg7 : memref<96x256xi32, #tpu.memory_space<vmem>>) offsets(%dma_start3A_8 : memref<96xi32, #tpu.memory_space<vmem>>) semaphore(%arg9 : memref<!tpu.dma_semaphore, #tpu.memory_space<semaphore_mem>>)
    %dma_wait3A = arith.constant 0 : i32
    %dma_wait3A_12 = tpu.memref_slice %arg5[%dma_wait3A] : memref<384xi32, #tpu.memory_space<vmem>> -> memref<96xi32, #tpu.memory_space<vmem>>
    %dma_wait3A_13 = arith.constant 0 : i32
    %dma_wait3A_14 = arith.constant 0 : i32
    %dma_wait3A_15 = tpu.memref_slice %arg3[%dma_wait3A_13, %dma_wait3A_14] : memref<8192x256xi32, #tpu.memory_space<hbm>> -> memref<8192x256xi32, #tpu.memory_space<hbm>>
    tpu.wait_indirect_dma semaphore(%arg8 : memref<!tpu.dma_semaphore, #tpu.memory_space<semaphore_mem>>) src(%dma_wait3A_15 : memref<8192x256xi32, #tpu.memory_space<hbm>>) dst(%arg6 : memref<96x256xi32, #tpu.memory_space<vmem>>)
    %add3A_16 = arith.constant 0 : i32
    %add3A_17 = arith.addi %mul3A_2, %add3A_16 : i32
    "tpu.region"() ({
      %run_scoped3A = tpu.sem_alloc : memref<!tpu.dma_semaphore, #tpu.memory_space<semaphore_mem>>
      %dma_start3A_49 = arith.constant 0 : i32
      %dma_start3A_50 = tpu.memref_slice %arg4[%add3A_17, %dma_start3A_49] : memref<12288x256xi32, #tpu.memory_space<hbm>> -> memref<96x256xi32, #tpu.memory_space<hbm>>
      %dma_start3A_51 = arith.constant 0 : i32
      %dma_start3A_52 = tpu.memref_slice %arg4[%add3A_17, %dma_start3A_51] : memref<12288x256xi32, #tpu.memory_space<hbm>> -> memref<96x256xi32, #tpu.memory_space<hbm>>
      tpu.enqueue_dma source(%arg6 : memref<96x256xi32, #tpu.memory_space<vmem>>) target(%dma_start3A_52 : memref<96x256xi32, #tpu.memory_space<hbm>>) target_semaphore(%run_scoped3A : memref<!tpu.dma_semaphore, #tpu.memory_space<semaphore_mem>>)
      %dma_wait3A_53 = arith.constant 0 : i32
      %dma_wait3A_54 = tpu.memref_slice %arg4[%add3A_17, %dma_wait3A_53] : memref<12288x256xi32, #tpu.memory_space<hbm>> -> memref<96x256xi32, #tpu.memory_space<hbm>>
      %dma_wait3A_55 = arith.constant 0 : i32
      %dma_wait3A_56 = tpu.memref_slice %arg4[%add3A_17, %dma_wait3A_55] : memref<12288x256xi32, #tpu.memory_space<hbm>> -> memref<96x256xi32, #tpu.memory_space<hbm>>
      tpu.wait_dma2 semaphore(%run_scoped3A : memref<!tpu.dma_semaphore, #tpu.memory_space<semaphore_mem>>) src(%arg6 : memref<96x256xi32, #tpu.memory_space<vmem>>) dst(%dma_wait3A_56 : memref<96x256xi32, #tpu.memory_space<hbm>>)
      tpu.yield
    }) : () -> ()
    %dma_start3A_18 = arith.constant 192 : i32
    %dma_start3A_19 = tpu.memref_slice %arg5[%dma_start3A_18] : memref<384xi32, #tpu.memory_space<vmem>> -> memref<96xi32, #tpu.memory_space<vmem>>
    %dma_start3A_20 = arith.constant 0 : i32
    %dma_start3A_21 = arith.constant 0 : i32
    %dma_start3A_22 = tpu.memref_slice %arg3[%dma_start3A_20, %dma_start3A_21] : memref<8192x256xi32, #tpu.memory_space<hbm>> -> memref<8192x256xi32, #tpu.memory_space<hbm>>
    tpu.enqueue_indirect_dma source(%dma_start3A_22 : memref<8192x256xi32, #tpu.memory_space<hbm>>) target(%arg6 : memref<96x256xi32, #tpu.memory_space<vmem>>) offsets(%dma_start3A_19 : memref<96xi32, #tpu.memory_space<vmem>>) semaphore(%arg8 : memref<!tpu.dma_semaphore, #tpu.memory_space<semaphore_mem>>)
    %dma_wait3A_23 = arith.constant 96 : i32
    %dma_wait3A_24 = tpu.memref_slice %arg5[%dma_wait3A_23] : memref<384xi32, #tpu.memory_space<vmem>> -> memref<96xi32, #tpu.memory_space<vmem>>
    %dma_wait3A_25 = arith.constant 0 : i32
    %dma_wait3A_26 = arith.constant 0 : i32
    %dma_wait3A_27 = tpu.memref_slice %arg3[%dma_wait3A_25, %dma_wait3A_26] : memref<8192x256xi32, #tpu.memory_space<hbm>> -> memref<8192x256xi32, #tpu.memory_space<hbm>>
    tpu.wait_indirect_dma semaphore(%arg9 : memref<!tpu.dma_semaphore, #tpu.memory_space<semaphore_mem>>) src(%dma_wait3A_27 : memref<8192x256xi32, #tpu.memory_space<hbm>>) dst(%arg7 : memref<96x256xi32, #tpu.memory_space<vmem>>)
    %add3A_28 = arith.constant 96 : i32
    %add3A_29 = arith.addi %mul3A_2, %add3A_28 : i32
    "tpu.region"() ({
      %run_scoped3A = tpu.sem_alloc : memref<!tpu.dma_semaphore, #tpu.memory_space<semaphore_mem>>
      %dma_start3A_49 = arith.constant 0 : i32
      %dma_start3A_50 = tpu.memref_slice %arg4[%add3A_29, %dma_start3A_49] : memref<12288x256xi32, #tpu.memory_space<hbm>> -> memref<96x256xi32, #tpu.memory_space<hbm>>
      %dma_start3A_51 = arith.constant 0 : i32
      %dma_start3A_52 = tpu.memref_slice %arg4[%add3A_29, %dma_start3A_51] : memref<12288x256xi32, #tpu.memory_space<hbm>> -> memref<96x256xi32, #tpu.memory_space<hbm>>
      tpu.enqueue_dma source(%arg7 : memref<96x256xi32, #tpu.memory_space<vmem>>) target(%dma_start3A_52 : memref<96x256xi32, #tpu.memory_space<hbm>>) target_semaphore(%run_scoped3A : memref<!tpu.dma_semaphore, #tpu.memory_space<semaphore_mem>>)
      %dma_wait3A_53 = arith.constant 0 : i32
      %dma_wait3A_54 = tpu.memref_slice %arg4[%add3A_29, %dma_wait3A_53] : memref<12288x256xi32, #tpu.memory_space<hbm>> -> memref<96x256xi32, #tpu.memory_space<hbm>>
      %dma_wait3A_55 = arith.constant 0 : i32
      %dma_wait3A_56 = tpu.memref_slice %arg4[%add3A_29, %dma_wait3A_55] : memref<12288x256xi32, #tpu.memory_space<hbm>> -> memref<96x256xi32, #tpu.memory_space<hbm>>
      tpu.wait_dma2 semaphore(%run_scoped3A : memref<!tpu.dma_semaphore, #tpu.memory_space<semaphore_mem>>) src(%arg7 : memref<96x256xi32, #tpu.memory_space<vmem>>) dst(%dma_wait3A_56 : memref<96x256xi32, #tpu.memory_space<hbm>>)
      tpu.yield
    }) : () -> ()
    %dma_start3A_30 = arith.constant 288 : i32
    %dma_start3A_31 = tpu.memref_slice %arg5[%dma_start3A_30] : memref<384xi32, #tpu.memory_space<vmem>> -> memref<96xi32, #tpu.memory_space<vmem>>
    %dma_start3A_32 = arith.constant 0 : i32
    %dma_start3A_33 = arith.constant 0 : i32
    %dma_start3A_34 = tpu.memref_slice %arg3[%dma_start3A_32, %dma_start3A_33] : memref<8192x256xi32, #tpu.memory_space<hbm>> -> memref<8192x256xi32, #tpu.memory_space<hbm>>
    tpu.enqueue_indirect_dma source(%dma_start3A_34 : memref<8192x256xi32, #tpu.memory_space<hbm>>) target(%arg7 : memref<96x256xi32, #tpu.memory_space<vmem>>) offsets(%dma_start3A_31 : memref<96xi32, #tpu.memory_space<vmem>>) semaphore(%arg9 : memref<!tpu.dma_semaphore, #tpu.memory_space<semaphore_mem>>)
    %dma_wait3A_35 = arith.constant 192 : i32
    %dma_wait3A_36 = tpu.memref_slice %arg5[%dma_wait3A_35] : memref<384xi32, #tpu.memory_space<vmem>> -> memref<96xi32, #tpu.memory_space<vmem>>
    %dma_wait3A_37 = arith.constant 0 : i32
    %dma_wait3A_38 = arith.constant 0 : i32
    %dma_wait3A_39 = tpu.memref_slice %arg3[%dma_wait3A_37, %dma_wait3A_38] : memref<8192x256xi32, #tpu.memory_space<hbm>> -> memref<8192x256xi32, #tpu.memory_space<hbm>>
    tpu.wait_indirect_dma semaphore(%arg8 : memref<!tpu.dma_semaphore, #tpu.memory_space<semaphore_mem>>) src(%dma_wait3A_39 : memref<8192x256xi32, #tpu.memory_space<hbm>>) dst(%arg6 : memref<96x256xi32, #tpu.memory_space<vmem>>)
    %add3A_40 = arith.constant 192 : i32
    %add3A_41 = arith.addi %mul3A_2, %add3A_40 : i32
    "tpu.region"() ({
      %run_scoped3A = tpu.sem_alloc : memref<!tpu.dma_semaphore, #tpu.memory_space<semaphore_mem>>
      %dma_start3A_49 = arith.constant 0 : i32
      %dma_start3A_50 = tpu.memref_slice %arg4[%add3A_41, %dma_start3A_49] : memref<12288x256xi32, #tpu.memory_space<hbm>> -> memref<96x256xi32, #tpu.memory_space<hbm>>
      %dma_start3A_51 = arith.constant 0 : i32
      %dma_start3A_52 = tpu.memref_slice %arg4[%add3A_41, %dma_start3A_51] : memref<12288x256xi32, #tpu.memory_space<hbm>> -> memref<96x256xi32, #tpu.memory_space<hbm>>
      tpu.enqueue_dma source(%arg6 : memref<96x256xi32, #tpu.memory_space<vmem>>) target(%dma_start3A_52 : memref<96x256xi32, #tpu.memory_space<hbm>>) target_semaphore(%run_scoped3A : memref<!tpu.dma_semaphore, #tpu.memory_space<semaphore_mem>>)
      %dma_wait3A_53 = arith.constant 0 : i32
      %dma_wait3A_54 = tpu.memref_slice %arg4[%add3A_41, %dma_wait3A_53] : memref<12288x256xi32, #tpu.memory_space<hbm>> -> memref<96x256xi32, #tpu.memory_space<hbm>>
      %dma_wait3A_55 = arith.constant 0 : i32
      %dma_wait3A_56 = tpu.memref_slice %arg4[%add3A_41, %dma_wait3A_55] : memref<12288x256xi32, #tpu.memory_space<hbm>> -> memref<96x256xi32, #tpu.memory_space<hbm>>
      tpu.wait_dma2 semaphore(%run_scoped3A : memref<!tpu.dma_semaphore, #tpu.memory_space<semaphore_mem>>) src(%arg6 : memref<96x256xi32, #tpu.memory_space<vmem>>) dst(%dma_wait3A_56 : memref<96x256xi32, #tpu.memory_space<hbm>>)
      tpu.yield
    }) : () -> ()
    %dma_wait3A_42 = arith.constant 288 : i32
    %dma_wait3A_43 = tpu.memref_slice %arg5[%dma_wait3A_42] : memref<384xi32, #tpu.memory_space<vmem>> -> memref<96xi32, #tpu.memory_space<vmem>>
    %dma_wait3A_44 = arith.constant 0 : i32
    %dma_wait3A_45 = arith.constant 0 : i32
    %dma_wait3A_46 = tpu.memref_slice %arg3[%dma_wait3A_44, %dma_wait3A_45] : memref<8192x256xi32, #tpu.memory_space<hbm>> -> memref<8192x256xi32, #tpu.memory_space<hbm>>
    tpu.wait_indirect_dma semaphore(%arg9 : memref<!tpu.dma_semaphore, #tpu.memory_space<semaphore_mem>>) src(%dma_wait3A_46 : memref<8192x256xi32, #tpu.memory_space<hbm>>) dst(%arg7 : memref<96x256xi32, #tpu.memory_space<vmem>>)
    %add3A_47 = arith.constant 288 : i32
    %add3A_48 = arith.addi %mul3A_2, %add3A_47 : i32
    "tpu.region"() ({
      %run_scoped3A = tpu.sem_alloc : memref<!tpu.dma_semaphore, #tpu.memory_space<semaphore_mem>>
      %dma_start3A_49 = arith.constant 0 : i32
      %dma_start3A_50 = tpu.memref_slice %arg4[%add3A_48, %dma_start3A_49] : memref<12288x256xi32, #tpu.memory_space<hbm>> -> memref<96x256xi32, #tpu.memory_space<hbm>>
      %dma_start3A_51 = arith.constant 0 : i32
      %dma_start3A_52 = tpu.memref_slice %arg4[%add3A_48, %dma_start3A_51] : memref<12288x256xi32, #tpu.memory_space<hbm>> -> memref<96x256xi32, #tpu.memory_space<hbm>>
      tpu.enqueue_dma source(%arg7 : memref<96x256xi32, #tpu.memory_space<vmem>>) target(%dma_start3A_52 : memref<96x256xi32, #tpu.memory_space<hbm>>) target_semaphore(%run_scoped3A : memref<!tpu.dma_semaphore, #tpu.memory_space<semaphore_mem>>)
      %dma_wait3A_53 = arith.constant 0 : i32
      %dma_wait3A_54 = tpu.memref_slice %arg4[%add3A_48, %dma_wait3A_53] : memref<12288x256xi32, #tpu.memory_space<hbm>> -> memref<96x256xi32, #tpu.memory_space<hbm>>
      %dma_wait3A_55 = arith.constant 0 : i32
      %dma_wait3A_56 = tpu.memref_slice %arg4[%add3A_48, %dma_wait3A_55] : memref<12288x256xi32, #tpu.memory_space<hbm>> -> memref<96x256xi32, #tpu.memory_space<hbm>>
      tpu.wait_dma2 semaphore(%run_scoped3A : memref<!tpu.dma_semaphore, #tpu.memory_space<semaphore_mem>>) src(%arg7 : memref<96x256xi32, #tpu.memory_space<vmem>>) dst(%dma_wait3A_56 : memref<96x256xi32, #tpu.memory_space<hbm>>)
      tpu.yield
    }) : () -> ()
    return
  }
}

module attributes {stable_mosaic.version = 14 : i64} {
  func.func @_attn_body(%arg0: memref<7x96xi32, #tpu.memory_space<smem>>, %arg1: memref<96x128x256xi32, #tpu.memory_space<vmem>>, %arg2: memref<96x4x128xi32, #tpu.memory_space<vmem>>, %arg3: memref<512x512xf32, #tpu.memory_space<vmem>>, %arg4: memref<48x128x512xf32, #tpu.memory_space<vmem>>, %arg5: memref<128x512xf32, #tpu.memory_space<vmem>>, %arg6: memref<128x512xf32, #tpu.memory_space<vmem>>, %arg7: memref<128x1xf32, #tpu.memory_space<vmem>>, %arg8: memref<128x1xf32, #tpu.memory_space<vmem>>, %arg9: memref<128x512xf32, #tpu.memory_space<vmem>>) attributes {dimension_semantics = [], scalar_prefetch = 0 : i64, scratch_operands = 5 : i64, tpu.core_type = #tpu.core_type<tc>} {
    %scan3A = arith.constant 0 : i32
    %scan3A_0 = arith.constant 97 : i32
    %scan3A_1 = arith.addi %scan3A, %scan3A_0 : i32
    %scan3A_2 = arith.constant 1 : i32
    scf.for %scan3A_4 = %scan3A to %scan3A_1 step %scan3A_2  : i32 {
      %rem3A = arith.constant 2 : i32
      %rem3A_5 = arith.remsi %scan3A_4, %rem3A : i32
      %eq3A = arith.constant 0 : i32
      %eq3A_6 = arith.cmpi eq, %rem3A_5, %eq3A : i32
      %get3A = arith.constant 0 : index
      %get3A_7 = arith.constant 0 : index
      %get3A_8 = vector.load %arg5[%get3A, %get3A_7] : memref<128x512xf32, #tpu.memory_space<vmem>>, vector<128x512xf32>
      %get3A_9 = arith.constant 0 : index
      %get3A_10 = arith.constant 0 : index
      %get3A_11 = vector.load %arg6[%get3A_9, %get3A_10] : memref<128x512xf32, #tpu.memory_space<vmem>>, vector<128x512xf32>
      %min3A = arith.constant 95 : i32
      %min3A_12 = arith.minsi %scan3A_4, %min3A : i32
      %get3A_13 = arith.constant 6 : index
      %get3A_14 = arith.index_cast %min3A_12 : i32 to index
      %get3A_15 = memref.load %arg0[%get3A_13, %get3A_14] : memref<7x96xi32, #tpu.memory_space<smem>>
      %get3A_16 = arith.index_cast %get3A_15 : i32 to index
      %get3A_17 = arith.constant 0 : index
      %get3A_18 = arith.constant 0 : index
      %get3A_19 = vector.load %arg1[%get3A_16, %get3A_17, %get3A_18] : memref<96x128x256xi32, #tpu.memory_space<vmem>>, vector<1x128x256xi32>
      %get3A_20 = vector.shape_cast %get3A_19 : vector<1x128x256xi32> to vector<128x256xi32>
      %shift_left3A = arith.constant 16 : i32
      %shift_left3A_21 = vector.broadcast %shift_left3A : i32 to vector<128x256xi32>
      %shift_left3A_22 = arith.shli %get3A_20, %shift_left3A_21 : vector<128x256xi32>
      %bitcast_convert_type3A = tpu.bitcast %shift_left3A_22 : vector<128x256xi32> -> vector<128x256xf32>
      %and3A = arith.constant -65536 : i32
      %and3A_23 = vector.broadcast %and3A : i32 to vector<128x256xi32>
      %and3A_24 = arith.andi %get3A_20, %and3A_23 : vector<128x256xi32>
      %bitcast_convert_type3A_25 = tpu.bitcast %and3A_24 : vector<128x256xi32> -> vector<128x256xf32>
      %convert_element_type3A = arith.truncf %bitcast_convert_type3A : vector<128x256xf32> to vector<128x256xbf16>
      %convert_element_type3A_26 = arith.truncf %bitcast_convert_type3A_25 : vector<128x256xf32> to vector<128x256xbf16>
      %concatenate3A = tpu.concatenate %convert_element_type3A, %convert_element_type3A_26 in 1 : vector<128x256xbf16>, vector<128x256xbf16> -> vector<128x512xbf16>
      %get3A_27 = arith.constant 2 : index
      %get3A_28 = arith.index_cast %min3A_12 : i32 to index
      %get3A_29 = memref.load %arg0[%get3A_27, %get3A_28] : memref<7x96xi32, #tpu.memory_space<smem>>
      %get3A_30 = arith.index_cast %get3A_29 : i32 to index
      %get3A_31 = arith.constant 0 : index
      %get3A_32 = arith.constant 0 : index
      %get3A_33 = vector.load %arg1[%get3A_30, %get3A_31, %get3A_32] : memref<96x128x256xi32, #tpu.memory_space<vmem>>, vector<1x128x256xi32>
      %get3A_34 = vector.shape_cast %get3A_33 : vector<1x128x256xi32> to vector<128x256xi32>
      %shift_left3A_35 = arith.constant 16 : i32
      %shift_left3A_36 = vector.broadcast %shift_left3A_35 : i32 to vector<128x256xi32>
      %shift_left3A_37 = arith.shli %get3A_34, %shift_left3A_36 : vector<128x256xi32>
      %bitcast_convert_type3A_38 = tpu.bitcast %shift_left3A_37 : vector<128x256xi32> -> vector<128x256xf32>
      %and3A_39 = arith.constant -65536 : i32
      %and3A_40 = vector.broadcast %and3A_39 : i32 to vector<128x256xi32>
      %and3A_41 = arith.andi %get3A_34, %and3A_40 : vector<128x256xi32>
      %bitcast_convert_type3A_42 = tpu.bitcast %and3A_41 : vector<128x256xi32> -> vector<128x256xf32>
      %convert_element_type3A_43 = arith.truncf %bitcast_convert_type3A_38 : vector<128x256xf32> to vector<128x256xbf16>
      %convert_element_type3A_44 = arith.truncf %bitcast_convert_type3A_42 : vector<128x256xf32> to vector<128x256xbf16>
      %concatenate3A_45 = tpu.concatenate %convert_element_type3A_43, %convert_element_type3A_44 in 1 : vector<128x256xbf16>, vector<128x256xbf16> -> vector<128x512xbf16>
      %get3A_46 = arith.constant 3 : index
      %get3A_47 = arith.index_cast %min3A_12 : i32 to index
      %get3A_48 = memref.load %arg0[%get3A_46, %get3A_47] : memref<7x96xi32, #tpu.memory_space<smem>>
      %get3A_49 = arith.index_cast %get3A_48 : i32 to index
      %get3A_50 = arith.constant 0 : index
      %get3A_51 = arith.constant 0 : index
      %get3A_52 = vector.load %arg1[%get3A_49, %get3A_50, %get3A_51] : memref<96x128x256xi32, #tpu.memory_space<vmem>>, vector<1x128x256xi32>
      %get3A_53 = vector.shape_cast %get3A_52 : vector<1x128x256xi32> to vector<128x256xi32>
      %shift_left3A_54 = arith.constant 16 : i32
      %shift_left3A_55 = vector.broadcast %shift_left3A_54 : i32 to vector<128x256xi32>
      %shift_left3A_56 = arith.shli %get3A_53, %shift_left3A_55 : vector<128x256xi32>
      %bitcast_convert_type3A_57 = tpu.bitcast %shift_left3A_56 : vector<128x256xi32> -> vector<128x256xf32>
      %and3A_58 = arith.constant -65536 : i32
      %and3A_59 = vector.broadcast %and3A_58 : i32 to vector<128x256xi32>
      %and3A_60 = arith.andi %get3A_53, %and3A_59 : vector<128x256xi32>
      %bitcast_convert_type3A_61 = tpu.bitcast %and3A_60 : vector<128x256xi32> -> vector<128x256xf32>
      %convert_element_type3A_62 = arith.truncf %bitcast_convert_type3A_57 : vector<128x256xf32> to vector<128x256xbf16>
      %convert_element_type3A_63 = arith.truncf %bitcast_convert_type3A_61 : vector<128x256xf32> to vector<128x256xbf16>
      %concatenate3A_64 = tpu.concatenate %convert_element_type3A_62, %convert_element_type3A_63 in 1 : vector<128x256xbf16>, vector<128x256xbf16> -> vector<128x512xbf16>
      %get3A_65 = arith.constant 4 : index
      %get3A_66 = arith.index_cast %min3A_12 : i32 to index
      %get3A_67 = memref.load %arg0[%get3A_65, %get3A_66] : memref<7x96xi32, #tpu.memory_space<smem>>
      %get3A_68 = arith.index_cast %get3A_67 : i32 to index
      %get3A_69 = arith.constant 0 : index
      %get3A_70 = arith.constant 0 : index
      %get3A_71 = vector.load %arg1[%get3A_68, %get3A_69, %get3A_70] : memref<96x128x256xi32, #tpu.memory_space<vmem>>, vector<1x128x256xi32>
      %get3A_72 = vector.shape_cast %get3A_71 : vector<1x128x256xi32> to vector<128x256xi32>
      %shift_left3A_73 = arith.constant 16 : i32
      %shift_left3A_74 = vector.broadcast %shift_left3A_73 : i32 to vector<128x256xi32>
      %shift_left3A_75 = arith.shli %get3A_72, %shift_left3A_74 : vector<128x256xi32>
      %bitcast_convert_type3A_76 = tpu.bitcast %shift_left3A_75 : vector<128x256xi32> -> vector<128x256xf32>
      %and3A_77 = arith.constant -65536 : i32
      %and3A_78 = vector.broadcast %and3A_77 : i32 to vector<128x256xi32>
      %and3A_79 = arith.andi %get3A_72, %and3A_78 : vector<128x256xi32>
      %bitcast_convert_type3A_80 = tpu.bitcast %and3A_79 : vector<128x256xi32> -> vector<128x256xf32>
      %convert_element_type3A_81 = arith.truncf %bitcast_convert_type3A_76 : vector<128x256xf32> to vector<128x256xbf16>
      %convert_element_type3A_82 = arith.truncf %bitcast_convert_type3A_80 : vector<128x256xf32> to vector<128x256xbf16>
      %concatenate3A_83 = tpu.concatenate %convert_element_type3A_81, %convert_element_type3A_82 in 1 : vector<128x256xbf16>, vector<128x256xbf16> -> vector<128x512xbf16>
      %get3A_84 = arith.constant 5 : index
      %get3A_85 = arith.index_cast %min3A_12 : i32 to index
      %get3A_86 = memref.load %arg0[%get3A_84, %get3A_85] : memref<7x96xi32, #tpu.memory_space<smem>>
      %get3A_87 = arith.index_cast %get3A_86 : i32 to index
      %get3A_88 = arith.constant 0 : index
      %get3A_89 = arith.constant 0 : index
      %get3A_90 = vector.load %arg1[%get3A_87, %get3A_88, %get3A_89] : memref<96x128x256xi32, #tpu.memory_space<vmem>>, vector<1x128x256xi32>
      %get3A_91 = vector.shape_cast %get3A_90 : vector<1x128x256xi32> to vector<128x256xi32>
      %shift_left3A_92 = arith.constant 16 : i32
      %shift_left3A_93 = vector.broadcast %shift_left3A_92 : i32 to vector<128x256xi32>
      %shift_left3A_94 = arith.shli %get3A_91, %shift_left3A_93 : vector<128x256xi32>
      %bitcast_convert_type3A_95 = tpu.bitcast %shift_left3A_94 : vector<128x256xi32> -> vector<128x256xf32>
      %and3A_96 = arith.constant -65536 : i32
      %and3A_97 = vector.broadcast %and3A_96 : i32 to vector<128x256xi32>
      %and3A_98 = arith.andi %get3A_91, %and3A_97 : vector<128x256xi32>
      %bitcast_convert_type3A_99 = tpu.bitcast %and3A_98 : vector<128x256xi32> -> vector<128x256xf32>
      %convert_element_type3A_100 = arith.truncf %bitcast_convert_type3A_95 : vector<128x256xf32> to vector<128x256xbf16>
      %convert_element_type3A_101 = arith.truncf %bitcast_convert_type3A_99 : vector<128x256xf32> to vector<128x256xbf16>
      %concatenate3A_102 = tpu.concatenate %convert_element_type3A_100, %convert_element_type3A_101 in 1 : vector<128x256xbf16>, vector<128x256xbf16> -> vector<128x512xbf16>
      %concatenate3A_103 = tpu.concatenate %concatenate3A_45, %concatenate3A_64, %concatenate3A_83, %concatenate3A_102 in 0 : vector<128x512xbf16>, vector<128x512xbf16>, vector<128x512xbf16>, vector<128x512xbf16> -> vector<512x512xbf16>
      %dot_general3A = arith.constant dense<0.000000e+00> : vector<128x512xf32>
      %dot_general3A_104 = tpu.matmul %concatenate3A, %concatenate3A_103, %dot_general3A {dimension_numbers = #tpu.dot_dimension_numbers<[1], [1], [0], [0], [0, 0, 1, 0], [], []>, transpose_lhs_hint = false} : vector<128x512xbf16>, vector<512x512xbf16>, vector<128x512xf32> -> vector<128x512xf32>
      %mul3A = arith.constant 0.0441941731 : f32
      %mul3A_105 = vector.broadcast %mul3A : f32 to vector<128x512xf32>
      %mul3A_106 = arith.mulf %dot_general3A_104, %mul3A_105 : vector<128x512xf32>
      %select_n3A = arith.select %eq3A_6, %mul3A_106, %get3A_8 : vector<128x512xf32>
      %swap3A = arith.constant 0 : index
      %swap3A_107 = arith.constant 0 : index
      %swap3A_108 = vector.load %arg5[%swap3A, %swap3A_107] : memref<128x512xf32, #tpu.memory_space<vmem>>, vector<128x512xf32>
      tpu.vector_store %arg5[%swap3A, %swap3A_107], %select_n3A {strides = array<i32>} : memref<128x512xf32, #tpu.memory_space<vmem>>, vector<128x512xf32>,
      %select_n3A_109 = arith.select %eq3A_6, %get3A_11, %mul3A_106 : vector<128x512xf32>
      %swap3A_110 = arith.constant 0 : index
      %swap3A_111 = arith.constant 0 : index
      %swap3A_112 = vector.load %arg6[%swap3A_110, %swap3A_111] : memref<128x512xf32, #tpu.memory_space<vmem>>, vector<128x512xf32>
      tpu.vector_store %arg6[%swap3A_110, %swap3A_111], %select_n3A_109 {strides = array<i32>} : memref<128x512xf32, #tpu.memory_space<vmem>>, vector<128x512xf32>,
      %gt3A = arith.constant 0 : i32
      %gt3A_113 = arith.cmpi sgt, %scan3A_4, %gt3A : i32
      %sub3A = arith.constant 1 : i32
      %sub3A_114 = arith.subi %scan3A_4, %sub3A : i32
      %max3A = arith.constant 0 : i32
      %max3A_115 = arith.maxsi %sub3A_114, %max3A : i32
      %get3A_116 = arith.constant 0 : index
      %get3A_117 = arith.index_cast %max3A_115 : i32 to index
      %get3A_118 = memref.load %arg0[%get3A_116, %get3A_117] : memref<7x96xi32, #tpu.memory_space<smem>>
      %eq3A_119 = arith.constant 0 : i32
      %eq3A_120 = arith.cmpi eq, %max3A_115, %eq3A_119 : i32
      %sub3A_121 = arith.constant 1 : i32
      %sub3A_122 = arith.subi %max3A_115, %sub3A_121 : i32
      %max3A_123 = arith.constant 0 : i32
      %max3A_124 = arith.maxsi %sub3A_122, %max3A_123 : i32
      %get3A_125 = arith.constant 0 : index
      %get3A_126 = arith.index_cast %max3A_124 : i32 to index
      %get3A_127 = memref.load %arg0[%get3A_125, %get3A_126] : memref<7x96xi32, #tpu.memory_space<smem>>
      %ne3A = arith.cmpi ne, %get3A_118, %get3A_127 : i32
      %or3A = arith.ori %eq3A_120, %ne3A : i1
      %get3A_128 = arith.constant 2 : index
      %get3A_129 = arith.index_cast %max3A_115 : i32 to index
      %get3A_130 = memref.load %arg0[%get3A_128, %get3A_129] : memref<7x96xi32, #tpu.memory_space<smem>>
      %get3A_131 = arith.index_cast %get3A_130 : i32 to index
      %get3A_132 = arith.constant 0 : index
      %get3A_133 = arith.constant 0 : index
      %get3A_134 = vector.load %arg1[%get3A_131, %get3A_132, %get3A_133] : memref<96x128x256xi32, #tpu.memory_space<vmem>>, vector<1x128x256xi32>
      %get3A_135 = vector.shape_cast %get3A_134 : vector<1x128x256xi32> to vector<128x256xi32>
      %shift_left3A_136 = arith.constant 16 : i32
      %shift_left3A_137 = vector.broadcast %shift_left3A_136 : i32 to vector<128x256xi32>
      %shift_left3A_138 = arith.shli %get3A_135, %shift_left3A_137 : vector<128x256xi32>
      %bitcast_convert_type3A_139 = tpu.bitcast %shift_left3A_138 : vector<128x256xi32> -> vector<128x256xf32>
      %and3A_140 = arith.constant -65536 : i32
      %and3A_141 = vector.broadcast %and3A_140 : i32 to vector<128x256xi32>
      %and3A_142 = arith.andi %get3A_135, %and3A_141 : vector<128x256xi32>
      %bitcast_convert_type3A_143 = tpu.bitcast %and3A_142 : vector<128x256xi32> -> vector<128x256xf32>
      %convert_element_type3A_144 = arith.truncf %bitcast_convert_type3A_139 : vector<128x256xf32> to vector<128x256xbf16>
      %convert_element_type3A_145 = arith.truncf %bitcast_convert_type3A_143 : vector<128x256xf32> to vector<128x256xbf16>
      %concatenate3A_146 = tpu.concatenate %convert_element_type3A_144, %convert_element_type3A_145 in 1 : vector<128x256xbf16>, vector<128x256xbf16> -> vector<128x512xbf16>
      %get3A_147 = arith.constant 3 : index
      %get3A_148 = arith.index_cast %max3A_115 : i32 to index
      %get3A_149 = memref.load %arg0[%get3A_147, %get3A_148] : memref<7x96xi32, #tpu.memory_space<smem>>
      %get3A_150 = arith.index_cast %get3A_149 : i32 to index
      %get3A_151 = arith.constant 0 : index
      %get3A_152 = arith.constant 0 : index
      %get3A_153 = vector.load %arg1[%get3A_150, %get3A_151, %get3A_152] : memref<96x128x256xi32, #tpu.memory_space<vmem>>, vector<1x128x256xi32>
      %get3A_154 = vector.shape_cast %get3A_153 : vector<1x128x256xi32> to vector<128x256xi32>
      %shift_left3A_155 = arith.constant 16 : i32
      %shift_left3A_156 = vector.broadcast %shift_left3A_155 : i32 to vector<128x256xi32>
      %shift_left3A_157 = arith.shli %get3A_154, %shift_left3A_156 : vector<128x256xi32>
      %bitcast_convert_type3A_158 = tpu.bitcast %shift_left3A_157 : vector<128x256xi32> -> vector<128x256xf32>
      %and3A_159 = arith.constant -65536 : i32
      %and3A_160 = vector.broadcast %and3A_159 : i32 to vector<128x256xi32>
      %and3A_161 = arith.andi %get3A_154, %and3A_160 : vector<128x256xi32>
      %bitcast_convert_type3A_162 = tpu.bitcast %and3A_161 : vector<128x256xi32> -> vector<128x256xf32>
      %convert_element_type3A_163 = arith.truncf %bitcast_convert_type3A_158 : vector<128x256xf32> to vector<128x256xbf16>
      %convert_element_type3A_164 = arith.truncf %bitcast_convert_type3A_162 : vector<128x256xf32> to vector<128x256xbf16>
      %concatenate3A_165 = tpu.concatenate %convert_element_type3A_163, %convert_element_type3A_164 in 1 : vector<128x256xbf16>, vector<128x256xbf16> -> vector<128x512xbf16>
      %get3A_166 = arith.constant 4 : index
      %get3A_167 = arith.index_cast %max3A_115 : i32 to index
      %get3A_168 = memref.load %arg0[%get3A_166, %get3A_167] : memref<7x96xi32, #tpu.memory_space<smem>>
      %get3A_169 = arith.index_cast %get3A_168 : i32 to index
      %get3A_170 = arith.constant 0 : index
      %get3A_171 = arith.constant 0 : index
      %get3A_172 = vector.load %arg1[%get3A_169, %get3A_170, %get3A_171] : memref<96x128x256xi32, #tpu.memory_space<vmem>>, vector<1x128x256xi32>
      %get3A_173 = vector.shape_cast %get3A_172 : vector<1x128x256xi32> to vector<128x256xi32>
      %shift_left3A_174 = arith.constant 16 : i32
      %shift_left3A_175 = vector.broadcast %shift_left3A_174 : i32 to vector<128x256xi32>
      %shift_left3A_176 = arith.shli %get3A_173, %shift_left3A_175 : vector<128x256xi32>
      %bitcast_convert_type3A_177 = tpu.bitcast %shift_left3A_176 : vector<128x256xi32> -> vector<128x256xf32>
      %and3A_178 = arith.constant -65536 : i32
      %and3A_179 = vector.broadcast %and3A_178 : i32 to vector<128x256xi32>
      %and3A_180 = arith.andi %get3A_173, %and3A_179 : vector<128x256xi32>
      %bitcast_convert_type3A_181 = tpu.bitcast %and3A_180 : vector<128x256xi32> -> vector<128x256xf32>
      %convert_element_type3A_182 = arith.truncf %bitcast_convert_type3A_177 : vector<128x256xf32> to vector<128x256xbf16>
      %convert_element_type3A_183 = arith.truncf %bitcast_convert_type3A_181 : vector<128x256xf32> to vector<128x256xbf16>
      %concatenate3A_184 = tpu.concatenate %convert_element_type3A_182, %convert_element_type3A_183 in 1 : vector<128x256xbf16>, vector<128x256xbf16> -> vector<128x512xbf16>
      %get3A_185 = arith.constant 5 : index
      %get3A_186 = arith.index_cast %max3A_115 : i32 to index
      %get3A_187 = memref.load %arg0[%get3A_185, %get3A_186] : memref<7x96xi32, #tpu.memory_space<smem>>
      %get3A_188 = arith.index_cast %get3A_187 : i32 to index
      %get3A_189 = arith.constant 0 : index
      %get3A_190 = arith.constant 0 : index
      %get3A_191 = vector.load %arg1[%get3A_188, %get3A_189, %get3A_190] : memref<96x128x256xi32, #tpu.memory_space<vmem>>, vector<1x128x256xi32>
      %get3A_192 = vector.shape_cast %get3A_191 : vector<1x128x256xi32> to vector<128x256xi32>
      %shift_left3A_193 = arith.constant 16 : i32
      %shift_left3A_194 = vector.broadcast %shift_left3A_193 : i32 to vector<128x256xi32>
      %shift_left3A_195 = arith.shli %get3A_192, %shift_left3A_194 : vector<128x256xi32>
      %bitcast_convert_type3A_196 = tpu.bitcast %shift_left3A_195 : vector<128x256xi32> -> vector<128x256xf32>
      %and3A_197 = arith.constant -65536 : i32
      %and3A_198 = vector.broadcast %and3A_197 : i32 to vector<128x256xi32>
      %and3A_199 = arith.andi %get3A_192, %and3A_198 : vector<128x256xi32>
      %bitcast_convert_type3A_200 = tpu.bitcast %and3A_199 : vector<128x256xi32> -> vector<128x256xf32>
      %convert_element_type3A_201 = arith.truncf %bitcast_convert_type3A_196 : vector<128x256xf32> to vector<128x256xbf16>
      %convert_element_type3A_202 = arith.truncf %bitcast_convert_type3A_200 : vector<128x256xf32> to vector<128x256xbf16>
      %concatenate3A_203 = tpu.concatenate %convert_element_type3A_201, %convert_element_type3A_202 in 1 : vector<128x256xbf16>, vector<128x256xbf16> -> vector<128x512xbf16>
      %concatenate3A_204 = tpu.concatenate %concatenate3A_146, %concatenate3A_165, %concatenate3A_184, %concatenate3A_203 in 0 : vector<128x512xbf16>, vector<128x512xbf16>, vector<128x512xbf16>, vector<128x512xbf16> -> vector<512x512xbf16>
      %get3A_205 = arith.index_cast %max3A_115 : i32 to index
      %get3A_206 = arith.constant 0 : index
      %get3A_207 = arith.constant 0 : index
      %get3A_208 = vector.load %arg2[%get3A_205, %get3A_206, %get3A_207] : memref<96x4x128xi32, #tpu.memory_space<vmem>>, vector<1x4x128xi32>
      %get3A_209 = vector.shape_cast %get3A_208 : vector<1x4x128xi32> to vector<4x128xi32>
      %slice3A = vector.extract_strided_slice %get3A_209 {offsets = [0, 0], sizes = [1, 128], strides = [1, 1]} : vector<4x128xi32> to vector<1x128xi32>
      %slice3A_210 = vector.extract_strided_slice %get3A_209 {offsets = [1, 0], sizes = [1, 128], strides = [1, 1]} : vector<4x128xi32> to vector<1x128xi32>
      %slice3A_211 = vector.extract_strided_slice %get3A_209 {offsets = [2, 0], sizes = [1, 128], strides = [1, 1]} : vector<4x128xi32> to vector<1x128xi32>
      %slice3A_212 = vector.extract_strided_slice %get3A_209 {offsets = [3, 0], sizes = [1, 128], strides = [1, 1]} : vector<4x128xi32> to vector<1x128xi32>
      %concatenate3A_213 = tpu.concatenate %slice3A, %slice3A_210, %slice3A_211, %slice3A_212 in 1 : vector<1x128xi32>, vector<1x128xi32>, vector<1x128xi32>, vector<1x128xi32> -> vector<1x512xi32>
      %iota3A = tpu.iota {dimensions = array<i32: 0>} : vector<128x512xi32>
      %le3A = vector.broadcast %concatenate3A_213 : vector<1x512xi32> to vector<128x512xi32>
      %le3A_214 = arith.cmpi sle, %le3A, %iota3A : vector<128x512xi32>
      %and3A_215 = vector.broadcast %gt3A_113 : i1 to vector<128x512xi1>
      %and3A_216 = arith.andi %and3A_215, %le3A_214 : vector<128x512xi1>
      %select_n3A_217 = arith.select %eq3A_6, %get3A_11, %get3A_8 : vector<128x512xf32>
      %jit3A = arith.constant -3.40282347E+38 : f32
      %broadcast_in_dim3A = vector.broadcast %jit3A : f32 to vector<128x512xf32>
      %select_n3A_218 = arith.select %and3A_216, %select_n3A_217, %broadcast_in_dim3A : vector<128x512xi1>, vector<128x512xf32>
      %get3A_219 = arith.constant 0 : index
      %get3A_220 = arith.constant 0 : index
      %get3A_221 = vector.load %arg7[%get3A_219, %get3A_220] : memref<128x1xf32, #tpu.memory_space<vmem>>, vector<128x1xf32>
      %jit3A_222 = arith.constant -3.40282347E+38 : f32
      %broadcast_in_dim3A_223 = vector.broadcast %jit3A_222 : f32 to vector<128x1xf32>
      %select_n3A_224 = arith.select %or3A, %broadcast_in_dim3A_223, %get3A_221 : vector<128x1xf32>
      %get3A_225 = arith.constant 0 : index
      %get3A_226 = arith.constant 0 : index
      %get3A_227 = vector.load %arg8[%get3A_225, %get3A_226] : memref<128x1xf32, #tpu.memory_space<vmem>>, vector<128x1xf32>
      %jit3A_228 = arith.constant 0.000000e+00 : f32
      %broadcast_in_dim3A_229 = vector.broadcast %jit3A_228 : f32 to vector<128x1xf32>
      %select_n3A_230 = arith.select %or3A, %broadcast_in_dim3A_229, %get3A_227 : vector<128x1xf32>
      %get3A_231 = arith.constant 0 : index
      %get3A_232 = arith.constant 0 : index
      %get3A_233 = vector.load %arg9[%get3A_231, %get3A_232] : memref<128x512xf32, #tpu.memory_space<vmem>>, vector<128x512xf32>
      %jit3A_234 = arith.constant 0.000000e+00 : f32
      %broadcast_in_dim3A_235 = vector.broadcast %jit3A_234 : f32 to vector<128x512xf32>
      %select_n3A_236 = arith.select %or3A, %broadcast_in_dim3A_235, %get3A_233 : vector<128x512xf32>
      %reduce_max3A = arith.constant dense<0xFF800000> : vector<128xf32>
      %reduce_max3A_237 = vector.multi_reduction <maximumf>, %select_n3A_218, %reduce_max3A [1] : vector<128x512xf32> to vector<128xf32>
      %broadcast_in_dim3A_238 = vector.shape_cast %reduce_max3A_237 : vector<128xf32> to vector<128x1xf32>
      %max3A_239 = arith.maximumf %select_n3A_224, %broadcast_in_dim3A_238 : vector<128x1xf32>
      %sub3A_240 = arith.subf %select_n3A_224, %max3A_239 : vector<128x1xf32>
      %exp3A = math.exp %sub3A_240 : vector<128x1xf32>
      %sub3A_241 = vector.broadcast %max3A_239 : vector<128x1xf32> to vector<128x512xf32>
      %sub3A_242 = arith.subf %select_n3A_218, %sub3A_241 : vector<128x512xf32>
      %exp3A_243 = math.exp %sub3A_242 : vector<128x512xf32>
      %jit3A_244 = arith.constant 0.000000e+00 : f32
      %broadcast_in_dim3A_245 = vector.broadcast %jit3A_244 : f32 to vector<128x512xf32>
      %select_n3A_246 = arith.select %gt3A_113, %exp3A_243, %broadcast_in_dim3A_245 : vector<128x512xf32>
      %mul3A_247 = arith.mulf %exp3A, %select_n3A_230 : vector<128x1xf32>
      %reduce_sum3A = arith.constant dense<0.000000e+00> : vector<128xf32>
      %reduce_sum3A_248 = vector.multi_reduction <add>, %select_n3A_246, %reduce_sum3A [1] : vector<128x512xf32> to vector<128xf32>
      %broadcast_in_dim3A_249 = vector.shape_cast %reduce_sum3A_248 : vector<128xf32> to vector<128x1xf32>
      %add3A = arith.addf %mul3A_247, %broadcast_in_dim3A_249 : vector<128x1xf32>
      %mul3A_250 = vector.broadcast %exp3A : vector<128x1xf32> to vector<128x512xf32>
      %mul3A_251 = arith.mulf %mul3A_250, %select_n3A_236 : vector<128x512xf32>
      %convert_element_type3A_252 = arith.truncf %select_n3A_246 : vector<128x512xf32> to vector<128x512xbf16>
      %dot_general3A_253 = arith.constant dense<0.000000e+00> : vector<128x512xf32>
      %dot_general3A_254 = tpu.matmul %convert_element_type3A_252, %concatenate3A_204, %dot_general3A_253 {dimension_numbers = #tpu.dot_dimension_numbers<[1], [0], [0], [1], [0, 0, 1, 1], [], []>, transpose_lhs_hint = false} : vector<128x512xbf16>, vector<512x512xbf16>, vector<128x512xf32> -> vector<128x512xf32>
      %add3A_255 = arith.addf %mul3A_251, %dot_general3A_254 : vector<128x512xf32>
      %swap3A_256 = arith.constant 0 : index
      %swap3A_257 = arith.constant 0 : index
      %swap3A_258 = vector.load %arg7[%swap3A_256, %swap3A_257] : memref<128x1xf32, #tpu.memory_space<vmem>>, vector<128x1xf32>
      tpu.vector_store %arg7[%swap3A_256, %swap3A_257], %max3A_239 {strides = array<i32>} : memref<128x1xf32, #tpu.memory_space<vmem>>, vector<128x1xf32>,
      %swap3A_259 = arith.constant 0 : index
      %swap3A_260 = arith.constant 0 : index
      %swap3A_261 = vector.load %arg8[%swap3A_259, %swap3A_260] : memref<128x1xf32, #tpu.memory_space<vmem>>, vector<128x1xf32>
      tpu.vector_store %arg8[%swap3A_259, %swap3A_260], %add3A {strides = array<i32>} : memref<128x1xf32, #tpu.memory_space<vmem>>, vector<128x1xf32>,
      %swap3A_262 = arith.constant 0 : index
      %swap3A_263 = arith.constant 0 : index
      %swap3A_264 = vector.load %arg9[%swap3A_262, %swap3A_263] : memref<128x512xf32, #tpu.memory_space<vmem>>, vector<128x512xf32>
      tpu.vector_store %arg9[%swap3A_262, %swap3A_263], %add3A_255 {strides = array<i32>} : memref<128x512xf32, #tpu.memory_space<vmem>>, vector<128x512xf32>,
      %div3A = arith.constant 1.000000e+00 : f32
      %div3A_265 = vector.broadcast %div3A : f32 to vector<128x1xf32>
      %div3A_266 = arith.divf %div3A_265, %add3A : vector<128x1xf32>
      %mul3A_267 = vector.broadcast %div3A_266 : vector<128x1xf32> to vector<128x512xf32>
      %mul3A_268 = arith.mulf %add3A_255, %mul3A_267 : vector<128x512xf32>
      %convert_element_type3A_269 = arith.truncf %mul3A_268 : vector<128x512xf32> to vector<128x512xbf16>
      %get3A_270 = arith.constant 0 : index
      %get3A_271 = arith.constant 0 : index
      %get3A_272 = vector.load %arg3[%get3A_270, %get3A_271] : memref<512x512xf32, #tpu.memory_space<vmem>>, vector<512x512xf32>
      %convert_element_type3A_273 = arith.truncf %get3A_272 : vector<512x512xf32> to vector<512x512xbf16>
      %dot_general3A_274 = arith.constant dense<0.000000e+00> : vector<128x512xf32>
      %dot_general3A_275 = tpu.matmul %convert_element_type3A_269, %convert_element_type3A_273, %dot_general3A_274 {dimension_numbers = #tpu.dot_dimension_numbers<[1], [0], [0], [1], [0, 0, 1, 1], [], []>, transpose_lhs_hint = false} : vector<128x512xbf16>, vector<512x512xbf16>, vector<128x512xf32> -> vector<128x512xf32>
      %swap3A_276 = arith.index_cast %get3A_118 : i32 to index
      %swap3A_277 = arith.constant 0 : index
      %swap3A_278 = arith.constant 0 : index
      %swap3A_279 = vector.load %arg4[%swap3A_276, %swap3A_277, %swap3A_278] : memref<48x128x512xf32, #tpu.memory_space<vmem>>, vector<1x128x512xf32>
      %swap3A_280 = vector.shape_cast %swap3A_279 : vector<1x128x512xf32> to vector<128x512xf32>
      %swap3A_281 = vector.shape_cast %dot_general3A_275 : vector<128x512xf32> to vector<1x128x512xf32>
      tpu.vector_store %arg4[%swap3A_276, %swap3A_277, %swap3A_278], %swap3A_281 {strides = array<i32>} : memref<48x128x512xf32, #tpu.memory_space<vmem>>, vector<1x128x512xf32>,
    }
    %scan3A_3 = arith.constant 97 : i32
    return
  }
}

module attributes {stable_mosaic.version = 14 : i64} {
  func.func @_extract_body(%arg0: memref<96x128xi32, #tpu.memory_space<vmem>>, %arg1: memref<1x96xi32, #tpu.memory_space<vmem>>, %arg2: memref<1x96xi32, #tpu.memory_space<vmem>>, %arg3: memref<2x96xi32, #tpu.memory_space<vmem>>, %arg4: memref<1x48xi32, #tpu.memory_space<vmem>>, %arg5: memref<1x96xi32, #tpu.memory_space<vmem>>, %arg6: memref<384x128xi32, #tpu.memory_space<vmem>>, %arg7: memref<7x96xi32, #tpu.memory_space<vmem>>, %arg8: memref<48x128xi32, #tpu.memory_space<vmem>>, %arg9: memref<48x128xi32, #tpu.memory_space<vmem>>) attributes {dimension_semantics = [], scalar_prefetch = 0 : i64, scratch_operands = 0 : i64, tpu.core_type = #tpu.core_type<tc>} {
    %get3A = arith.constant 0 : index
    %get3A_0 = arith.constant 0 : index
    %get3A_1 = vector.load %arg0[%get3A, %get3A_0] : memref<96x128xi32, #tpu.memory_space<vmem>>, vector<96x128xi32>
    %convert_element_type3A = arith.sitofp %get3A_1 : vector<96x128xi32> to vector<96x128xf32>
    %get3A_2 = arith.constant 0 : index
    %get3A_3 = arith.constant 0 : index
    %get3A_4 = vector.load %arg1[%get3A_2, %get3A_3] : memref<1x96xi32, #tpu.memory_space<vmem>>, vector<1x96xi32>
    %jit3A = arith.constant 8 : i32
    %jit3A_5 = arith.constant 128 : i32
    %max3A = vector.broadcast %jit3A : i32 to vector<1x96xi32>
    %max3A_6 = arith.maxsi %max3A, %get3A_4 : vector<1x96xi32>
    %min3A = vector.broadcast %jit3A_5 : i32 to vector<1x96xi32>
    %min3A_7 = arith.minsi %min3A, %max3A_6 : vector<1x96xi32>
    %get3A_8 = arith.constant 0 : index
    %get3A_9 = arith.constant 0 : index
    %get3A_10 = vector.load %arg2[%get3A_8, %get3A_9] : memref<1x96xi32, #tpu.memory_space<vmem>>, vector<1x96xi32>
    %max3A_11 = arith.constant 1 : i32
    %max3A_12 = vector.broadcast %max3A_11 : i32 to vector<1x96xi32>
    %max3A_13 = arith.maxsi %get3A_10, %max3A_12 : vector<1x96xi32>
    %min3A_14 = arith.minsi %max3A_13, %min3A_7 : vector<1x96xi32>
    %get3A_15 = arith.constant 0 : index
    %get3A_16 = arith.constant 0 : index
    %get3A_17 = vector.load %arg3[%get3A_15, %get3A_16] : memref<2x96xi32, #tpu.memory_space<vmem>>, vector<1x96xi32>
    %get3A_18 = arith.constant 1 : index
    %get3A_19 = arith.constant 0 : index
    %get3A_20 = vector.load %arg3[%get3A_18, %get3A_19] : memref<2x96xi32, #tpu.memory_space<vmem>>, vector<1x96xi32>
    %get3A_21 = arith.constant 0 : index
    %get3A_22 = arith.constant 0 : index
    %get3A_23 = vector.load %arg5[%get3A_21, %get3A_22] : memref<1x96xi32, #tpu.memory_space<vmem>>, vector<1x96xi32>
    %get3A_24 = arith.constant 0 : index
    %get3A_25 = arith.constant 0 : index
    %get3A_26 = vector.load %arg4[%get3A_24, %get3A_25] : memref<1x48xi32, #tpu.memory_space<vmem>>, vector<1x48xi32>
    %iota3A = tpu.iota {dimensions = array<i32: 0>} : vector<96x96xi32>
    %iota3A_27 = tpu.iota {dimensions = array<i32: 1>} : vector<96x96xi32>
    %eq3A = arith.cmpi eq, %iota3A, %iota3A_27 : vector<96x96xi32>
    %jit3A_28 = arith.constant 0 : i32
    %broadcast_in_dim3A = vector.shape_cast %get3A_20 : vector<1x96xi32> to vector<1x96xi32>
    %broadcast_in_dim3A_29 = vector.broadcast %broadcast_in_dim3A : vector<1x96xi32> to vector<96x96xi32>
    %broadcast_in_dim3A_30 = vector.broadcast %jit3A_28 : i32 to vector<96x96xi32>
    %select_n3A = arith.select %eq3A, %broadcast_in_dim3A_29, %broadcast_in_dim3A_30 : vector<96x96xi1>, vector<96x96xi32>
    %reduce_sum3A = arith.constant dense<0> : vector<96xi32>
    %reduce_sum3A_31 = vector.multi_reduction <add>, %select_n3A, %reduce_sum3A [1] : vector<96x96xi32> to vector<96xi32>
    %broadcast_in_dim3A_32 = vector.shape_cast %reduce_sum3A_31 : vector<96xi32> to vector<96x1xi32>
    %iota3A_33 = tpu.iota {dimensions = array<i32: 0>} : vector<96x96xi32>
    %iota3A_34 = tpu.iota {dimensions = array<i32: 1>} : vector<96x96xi32>
    %eq3A_35 = arith.cmpi eq, %iota3A_33, %iota3A_34 : vector<96x96xi32>
    %jit3A_36 = arith.constant 0 : i32
    %broadcast_in_dim3A_37 = vector.shape_cast %get3A_17 : vector<1x96xi32> to vector<1x96xi32>
    %broadcast_in_dim3A_38 = vector.broadcast %broadcast_in_dim3A_37 : vector<1x96xi32> to vector<96x96xi32>
    %broadcast_in_dim3A_39 = vector.broadcast %jit3A_36 : i32 to vector<96x96xi32>
    %select_n3A_40 = arith.select %eq3A_35, %broadcast_in_dim3A_38, %broadcast_in_dim3A_39 : vector<96x96xi1>, vector<96x96xi32>
    %reduce_sum3A_41 = arith.constant dense<0> : vector<96xi32>
    %reduce_sum3A_42 = vector.multi_reduction <add>, %select_n3A_40, %reduce_sum3A_41 [1] : vector<96x96xi32> to vector<96xi32>
    %broadcast_in_dim3A_43 = vector.shape_cast %reduce_sum3A_42 : vector<96xi32> to vector<96x1xi32>
    %iota3A_44 = tpu.iota {dimensions = array<i32: 0>} : vector<96x96xi32>
    %iota3A_45 = tpu.iota {dimensions = array<i32: 1>} : vector<96x96xi32>
    %eq3A_46 = arith.cmpi eq, %iota3A_44, %iota3A_45 : vector<96x96xi32>
    %jit3A_47 = arith.constant 0 : i32
    %broadcast_in_dim3A_48 = vector.shape_cast %get3A_23 : vector<1x96xi32> to vector<1x96xi32>
    %broadcast_in_dim3A_49 = vector.broadcast %broadcast_in_dim3A_48 : vector<1x96xi32> to vector<96x96xi32>
    %broadcast_in_dim3A_50 = vector.broadcast %jit3A_47 : i32 to vector<96x96xi32>
    %select_n3A_51 = arith.select %eq3A_46, %broadcast_in_dim3A_49, %broadcast_in_dim3A_50 : vector<96x96xi1>, vector<96x96xi32>
    %reduce_sum3A_52 = arith.constant dense<0> : vector<96xi32>
    %reduce_sum3A_53 = vector.multi_reduction <add>, %select_n3A_51, %reduce_sum3A_52 [1] : vector<96x96xi32> to vector<96xi32>
    %broadcast_in_dim3A_54 = vector.shape_cast %reduce_sum3A_53 : vector<96xi32> to vector<96x1xi32>
    %iota3A_55 = tpu.iota {dimensions = array<i32: 1>} : vector<96x96xi32>
    %iota3A_56 = tpu.iota {dimensions = array<i32: 0>} : vector<96x96xi32>
    %lt3A = vector.broadcast %get3A_20 : vector<1x96xi32> to vector<96x96xi32>
    %lt3A_57 = vector.broadcast %broadcast_in_dim3A_32 : vector<96x1xi32> to vector<96x96xi32>
    %lt3A_58 = arith.cmpi slt, %lt3A, %lt3A_57 : vector<96x96xi32>
    %eq3A_59 = vector.broadcast %get3A_20 : vector<1x96xi32> to vector<96x96xi32>
    %eq3A_60 = vector.broadcast %broadcast_in_dim3A_32 : vector<96x1xi32> to vector<96x96xi32>
    %eq3A_61 = arith.cmpi eq, %eq3A_59, %eq3A_60 : vector<96x96xi32>
    %lt3A_62 = arith.cmpi slt, %iota3A_55, %iota3A_56 : vector<96x96xi32>
    %and3A = arith.andi %eq3A_61, %lt3A_62 : vector<96x96xi1>
    %or3A = arith.ori %lt3A_58, %and3A : vector<96x96xi1>
    %convert_element_type3A_63 = arith.extui %or3A : vector<96x96xi1> to vector<96x96xi32>
    %reduce_sum3A_64 = arith.constant dense<0> : vector<96xi32>
    %reduce_sum3A_65 = vector.multi_reduction <add>, %convert_element_type3A_63, %reduce_sum3A_64 [1] : vector<96x96xi32> to vector<96xi32>
    %broadcast_in_dim3A_66 = vector.shape_cast %reduce_sum3A_65 : vector<96xi32> to vector<96x1xi32>
    %iota3A_67 = tpu.iota {dimensions = array<i32: 0>} : vector<48x96xi32>
    %iota3A_68 = tpu.iota {dimensions = array<i32: 0>} : vector<48x1xi32>
    %eq3A_69 = vector.broadcast %get3A_20 : vector<1x96xi32> to vector<48x96xi32>
    %eq3A_70 = arith.cmpi eq, %eq3A_69, %iota3A_67 : vector<48x96xi32>
    %convert_element_type3A_71 = arith.extui %eq3A_70 : vector<48x96xi1> to vector<48x96xi32>
    %reduce_sum3A_72 = arith.constant dense<0> : vector<48xi32>
    %reduce_sum3A_73 = vector.multi_reduction <add>, %convert_element_type3A_71, %reduce_sum3A_72 [1] : vector<48x96xi32> to vector<48xi32>
    %broadcast_in_dim3A_74 = vector.shape_cast %reduce_sum3A_73 : vector<48xi32> to vector<48x1xi32>
    %shift_right_arithmetic3A = arith.constant 1 : i32
    %shift_right_arithmetic3A_75 = vector.broadcast %shift_right_arithmetic3A : i32 to vector<48x1xi32>
    %shift_right_arithmetic3A_76 = arith.shrsi %broadcast_in_dim3A_74, %shift_right_arithmetic3A_75 : vector<48x1xi32>
    %add3A = arith.constant 1 : i32
    %add3A_77 = vector.broadcast %add3A : i32 to vector<48x1xi32>
    %add3A_78 = arith.addi %shift_right_arithmetic3A_76, %add3A_77 : vector<48x1xi32>
    %iota3A_79 = tpu.iota {dimensions = array<i32: 0>} : vector<48x48xi32>
    %iota3A_80 = tpu.iota {dimensions = array<i32: 1>} : vector<48x48xi32>
    %eq3A_81 = arith.cmpi eq, %iota3A_79, %iota3A_80 : vector<48x48xi32>
    %jit3A_82 = arith.constant 0 : i32
    %broadcast_in_dim3A_83 = vector.shape_cast %add3A_78 : vector<48x1xi32> to vector<48x1xi32>
    %broadcast_in_dim3A_84 = vector.broadcast %broadcast_in_dim3A_83 : vector<48x1xi32> to vector<48x48xi32>
    %broadcast_in_dim3A_85 = vector.broadcast %jit3A_82 : i32 to vector<48x48xi32>
    %select_n3A_86 = arith.select %eq3A_81, %broadcast_in_dim3A_84, %broadcast_in_dim3A_85 : vector<48x48xi1>, vector<48x48xi32>
    %reduce_sum3A_87 = arith.constant dense<0> : vector<48xi32>
    %reduce_sum3A_88 = vector.multi_reduction <add>, %select_n3A_86, %reduce_sum3A_87 [0] : vector<48x48xi32> to vector<48xi32>
    %broadcast_in_dim3A_89 = vector.shape_cast %reduce_sum3A_88 : vector<48xi32> to vector<1x48xi32>
    %iota3A_90 = tpu.iota {dimensions = array<i32: 0>} : vector<48x48xi32>
    %iota3A_91 = tpu.iota {dimensions = array<i32: 1>} : vector<48x48xi32>
    %lt3A_92 = arith.cmpi slt, %iota3A_91, %iota3A_90 : vector<48x48xi32>
    %jit3A_93 = arith.constant 0 : i32
    %broadcast_in_dim3A_94 = vector.shape_cast %broadcast_in_dim3A_89 : vector<1x48xi32> to vector<1x48xi32>
    %broadcast_in_dim3A_95 = vector.broadcast %broadcast_in_dim3A_94 : vector<1x48xi32> to vector<48x48xi32>
    %broadcast_in_dim3A_96 = vector.broadcast %jit3A_93 : i32 to vector<48x48xi32>
    %select_n3A_97 = arith.select %lt3A_92, %broadcast_in_dim3A_95, %broadcast_in_dim3A_96 : vector<48x48xi1>, vector<48x48xi32>
    %reduce_sum3A_98 = arith.constant dense<0> : vector<48xi32>
    %reduce_sum3A_99 = vector.multi_reduction <add>, %select_n3A_97, %reduce_sum3A_98 [1] : vector<48x48xi32> to vector<48xi32>
    %broadcast_in_dim3A_100 = vector.shape_cast %reduce_sum3A_99 : vector<48xi32> to vector<48x1xi32>
    %iota3A_101 = tpu.iota {dimensions = array<i32: 1>} : vector<96x48xi32>
    %lt3A_102 = vector.broadcast %broadcast_in_dim3A_32 : vector<96x1xi32> to vector<96x48xi32>
    %lt3A_103 = arith.cmpi slt, %iota3A_101, %lt3A_102 : vector<96x48xi32>
    %jit3A_104 = arith.constant 0 : i32
    %broadcast_in_dim3A_105 = vector.shape_cast %broadcast_in_dim3A_89 : vector<1x48xi32> to vector<1x48xi32>
    %broadcast_in_dim3A_106 = vector.broadcast %broadcast_in_dim3A_105 : vector<1x48xi32> to vector<96x48xi32>
    %broadcast_in_dim3A_107 = vector.broadcast %jit3A_104 : i32 to vector<96x48xi32>
    %select_n3A_108 = arith.select %lt3A_103, %broadcast_in_dim3A_106, %broadcast_in_dim3A_107 : vector<96x48xi1>, vector<96x48xi32>
    %reduce_sum3A_109 = arith.constant dense<0> : vector<96xi32>
    %reduce_sum3A_110 = vector.multi_reduction <add>, %select_n3A_108, %reduce_sum3A_109 [1] : vector<96x48xi32> to vector<96xi32>
    %broadcast_in_dim3A_111 = vector.shape_cast %reduce_sum3A_110 : vector<96xi32> to vector<96x1xi32>
    %lt3A_112 = vector.broadcast %get3A_20 : vector<1x96xi32> to vector<96x96xi32>
    %lt3A_113 = vector.broadcast %broadcast_in_dim3A_32 : vector<96x1xi32> to vector<96x96xi32>
    %lt3A_114 = arith.cmpi slt, %lt3A_112, %lt3A_113 : vector<96x96xi32>
    %convert_element_type3A_115 = arith.extui %lt3A_114 : vector<96x96xi1> to vector<96x96xi32>
    %reduce_sum3A_116 = arith.constant dense<0> : vector<96xi32>
    %reduce_sum3A_117 = vector.multi_reduction <add>, %convert_element_type3A_115, %reduce_sum3A_116 [1] : vector<96x96xi32> to vector<96xi32>
    %broadcast_in_dim3A_118 = vector.shape_cast %reduce_sum3A_117 : vector<96xi32> to vector<96x1xi32>
    %sub3A = arith.subi %broadcast_in_dim3A_66, %broadcast_in_dim3A_118 : vector<96x1xi32>
    %mul3A = arith.constant 4 : i32
    %mul3A_119 = vector.broadcast %mul3A : i32 to vector<96x1xi32>
    %mul3A_120 = arith.muli %mul3A_119, %broadcast_in_dim3A_111 : vector<96x1xi32>
    %mul3A_121 = arith.constant 2 : i32
    %mul3A_122 = vector.broadcast %mul3A_121 : i32 to vector<96x1xi32>
    %mul3A_123 = arith.muli %mul3A_122, %sub3A : vector<96x1xi32>
    %add3A_124 = arith.addi %mul3A_120, %mul3A_123 : vector<96x1xi32>
    %mul3A_125 = arith.constant 4 : i32
    %mul3A_126 = vector.broadcast %mul3A_125 : i32 to vector<48x1xi32>
    %mul3A_127 = arith.muli %mul3A_126, %broadcast_in_dim3A_100 : vector<48x1xi32>
    %mul3A_128 = arith.constant 2 : i32
    %mul3A_129 = vector.broadcast %mul3A_128 : i32 to vector<48x1xi32>
    %mul3A_130 = arith.muli %mul3A_129, %broadcast_in_dim3A_74 : vector<48x1xi32>
    %add3A_131 = arith.addi %mul3A_127, %mul3A_130 : vector<48x1xi32>
    %iota3A_132 = tpu.iota {dimensions = array<i32: 1>} : vector<96x384xi32>
    %iota3A_133 = tpu.iota {dimensions = array<i32: 1>} : vector<48x384xi32>
    %eq3A_134 = vector.broadcast %add3A_124 : vector<96x1xi32> to vector<96x384xi32>
    %eq3A_135 = arith.cmpi eq, %eq3A_134, %iota3A_132 : vector<96x384xi32>
    %add3A_136 = arith.constant 1 : i32
    %add3A_137 = vector.broadcast %add3A_136 : i32 to vector<96x1xi32>
    %add3A_138 = arith.addi %add3A_124, %add3A_137 : vector<96x1xi32>
    %eq3A_139 = vector.broadcast %add3A_138 : vector<96x1xi32> to vector<96x384xi32>
    %eq3A_140 = arith.cmpi eq, %eq3A_139, %iota3A_132 : vector<96x384xi32>
    %eq3A_141 = vector.broadcast %add3A_131 : vector<48x1xi32> to vector<48x384xi32>
    %eq3A_142 = arith.cmpi eq, %eq3A_141, %iota3A_133 : vector<48x384xi32>
    %jit3A_143 = arith.constant 0 : i32
    %broadcast_in_dim3A_144 = vector.shape_cast %broadcast_in_dim3A_43 : vector<96x1xi32> to vector<96x1xi32>
    %broadcast_in_dim3A_145 = vector.broadcast %broadcast_in_dim3A_144 : vector<96x1xi32> to vector<96x384xi32>
    %broadcast_in_dim3A_146 = vector.broadcast %jit3A_143 : i32 to vector<96x384xi32>
    %select_n3A_147 = arith.select %eq3A_135, %broadcast_in_dim3A_145, %broadcast_in_dim3A_146 : vector<96x384xi1>, vector<96x384xi32>
    %reduce_sum3A_148 = arith.constant dense<0> : vector<384xi32>
    %reduce_sum3A_149 = vector.multi_reduction <add>, %select_n3A_147, %reduce_sum3A_148 [0] : vector<96x384xi32> to vector<384xi32>
    %broadcast_in_dim3A_150 = vector.shape_cast %reduce_sum3A_149 : vector<384xi32> to vector<1x384xi32>
    %add3A_151 = arith.constant 48 : i32
    %add3A_152 = vector.broadcast %add3A_151 : i32 to vector<96x1xi32>
    %add3A_153 = arith.addi %broadcast_in_dim3A_54, %add3A_152 : vector<96x1xi32>
    %jit3A_154 = arith.constant 0 : i32
    %broadcast_in_dim3A_155 = vector.shape_cast %add3A_153 : vector<96x1xi32> to vector<96x1xi32>
    %broadcast_in_dim3A_156 = vector.broadcast %broadcast_in_dim3A_155 : vector<96x1xi32> to vector<96x384xi32>
    %broadcast_in_dim3A_157 = vector.broadcast %jit3A_154 : i32 to vector<96x384xi32>
    %select_n3A_158 = arith.select %eq3A_140, %broadcast_in_dim3A_156, %broadcast_in_dim3A_157 : vector<96x384xi1>, vector<96x384xi32>
    %reduce_sum3A_159 = arith.constant dense<0> : vector<384xi32>
    %reduce_sum3A_160 = vector.multi_reduction <add>, %select_n3A_158, %reduce_sum3A_159 [0] : vector<96x384xi32> to vector<384xi32>
    %broadcast_in_dim3A_161 = vector.shape_cast %reduce_sum3A_160 : vector<384xi32> to vector<1x384xi32>
    %add3A_162 = arith.addi %broadcast_in_dim3A_150, %broadcast_in_dim3A_161 : vector<1x384xi32>
    %jit3A_163 = arith.constant 0 : i32
    %broadcast_in_dim3A_164 = vector.shape_cast %iota3A_68 : vector<48x1xi32> to vector<48x1xi32>
    %broadcast_in_dim3A_165 = vector.broadcast %broadcast_in_dim3A_164 : vector<48x1xi32> to vector<48x384xi32>
    %broadcast_in_dim3A_166 = vector.broadcast %jit3A_163 : i32 to vector<48x384xi32>
    %select_n3A_167 = arith.select %eq3A_142, %broadcast_in_dim3A_165, %broadcast_in_dim3A_166 : vector<48x384xi1>, vector<48x384xi32>
    %reduce_sum3A_168 = arith.constant dense<0> : vector<384xi32>
    %reduce_sum3A_169 = vector.multi_reduction <add>, %select_n3A_167, %reduce_sum3A_168 [0] : vector<48x384xi32> to vector<384xi32>
    %broadcast_in_dim3A_170 = vector.shape_cast %reduce_sum3A_169 : vector<384xi32> to vector<1x384xi32>
    %add3A_171 = arith.addi %add3A_162, %broadcast_in_dim3A_170 : vector<1x384xi32>
    %broadcast_in_dim3A_172 = arith.constant 1 : i32
    %broadcast_in_dim3A_173 = vector.broadcast %broadcast_in_dim3A_172 : i32 to vector<48x1xi32>
    %jit3A_174 = arith.constant 0 : i32
    %broadcast_in_dim3A_175 = vector.shape_cast %broadcast_in_dim3A_173 : vector<48x1xi32> to vector<48x1xi32>
    %broadcast_in_dim3A_176 = vector.broadcast %broadcast_in_dim3A_175 : vector<48x1xi32> to vector<48x384xi32>
    %broadcast_in_dim3A_177 = vector.broadcast %jit3A_174 : i32 to vector<48x384xi32>
    %select_n3A_178 = arith.select %eq3A_142, %broadcast_in_dim3A_176, %broadcast_in_dim3A_177 : vector<48x384xi1>, vector<48x384xi32>
    %reduce_sum3A_179 = arith.constant dense<0> : vector<384xi32>
    %reduce_sum3A_180 = vector.multi_reduction <add>, %select_n3A_178, %reduce_sum3A_179 [0] : vector<48x384xi32> to vector<384xi32>
    %broadcast_in_dim3A_181 = vector.shape_cast %reduce_sum3A_180 : vector<384xi32> to vector<1x384xi32>
    %broadcast_in_dim3A_182 = arith.constant 1 : i32
    %broadcast_in_dim3A_183 = vector.broadcast %broadcast_in_dim3A_182 : i32 to vector<96x1xi32>
    %jit3A_184 = arith.constant 0 : i32
    %broadcast_in_dim3A_185 = vector.shape_cast %broadcast_in_dim3A_183 : vector<96x1xi32> to vector<96x1xi32>
    %broadcast_in_dim3A_186 = vector.broadcast %broadcast_in_dim3A_185 : vector<96x1xi32> to vector<96x384xi32>
    %broadcast_in_dim3A_187 = vector.broadcast %jit3A_184 : i32 to vector<96x384xi32>
    %select_n3A_188 = arith.select %eq3A_135, %broadcast_in_dim3A_186, %broadcast_in_dim3A_187 : vector<96x384xi1>, vector<96x384xi32>
    %reduce_sum3A_189 = arith.constant dense<0> : vector<384xi32>
    %reduce_sum3A_190 = vector.multi_reduction <add>, %select_n3A_188, %reduce_sum3A_189 [0] : vector<96x384xi32> to vector<384xi32>
    %broadcast_in_dim3A_191 = vector.shape_cast %reduce_sum3A_190 : vector<384xi32> to vector<1x384xi32>
    %broadcast_in_dim3A_192 = arith.constant 1 : i32
    %broadcast_in_dim3A_193 = vector.broadcast %broadcast_in_dim3A_192 : i32 to vector<96x1xi32>
    %jit3A_194 = arith.constant 0 : i32
    %broadcast_in_dim3A_195 = vector.shape_cast %broadcast_in_dim3A_193 : vector<96x1xi32> to vector<96x1xi32>
    %broadcast_in_dim3A_196 = vector.broadcast %broadcast_in_dim3A_195 : vector<96x1xi32> to vector<96x384xi32>
    %broadcast_in_dim3A_197 = vector.broadcast %jit3A_194 : i32 to vector<96x384xi32>
    %select_n3A_198 = arith.select %eq3A_140, %broadcast_in_dim3A_196, %broadcast_in_dim3A_197 : vector<96x384xi1>, vector<96x384xi32>
    %reduce_sum3A_199 = arith.constant dense<0> : vector<384xi32>
    %reduce_sum3A_200 = vector.multi_reduction <add>, %select_n3A_198, %reduce_sum3A_199 [0] : vector<96x384xi32> to vector<384xi32>
    %broadcast_in_dim3A_201 = vector.shape_cast %reduce_sum3A_200 : vector<384xi32> to vector<1x384xi32>
    %add3A_202 = arith.addi %broadcast_in_dim3A_191, %broadcast_in_dim3A_201 : vector<1x384xi32>
    %add3A_203 = arith.addi %add3A_202, %broadcast_in_dim3A_181 : vector<1x384xi32>
    %iota3A_204 = tpu.iota {dimensions = array<i32: 0>} : vector<384x384xi32>
    %iota3A_205 = tpu.iota {dimensions = array<i32: 1>} : vector<384x384xi32>
    %eq3A_206 = arith.cmpi eq, %iota3A_204, %iota3A_205 : vector<384x384xi32>
    %jit3A_207 = arith.constant 0 : i32
    %broadcast_in_dim3A_208 = vector.shape_cast %add3A_171 : vector<1x384xi32> to vector<1x384xi32>
    %broadcast_in_dim3A_209 = vector.broadcast %broadcast_in_dim3A_208 : vector<1x384xi32> to vector<384x384xi32>
    %broadcast_in_dim3A_210 = vector.broadcast %jit3A_207 : i32 to vector<384x384xi32>
    %select_n3A_211 = arith.select %eq3A_206, %broadcast_in_dim3A_209, %broadcast_in_dim3A_210 : vector<384x384xi1>, vector<384x384xi32>
    %reduce_sum3A_212 = arith.constant dense<0> : vector<384xi32>
    %reduce_sum3A_213 = vector.multi_reduction <add>, %select_n3A_211, %reduce_sum3A_212 [1] : vector<384x384xi32> to vector<384xi32>
    %broadcast_in_dim3A_214 = vector.shape_cast %reduce_sum3A_213 : vector<384xi32> to vector<384x1xi32>
    %iota3A_215 = tpu.iota {dimensions = array<i32: 0>} : vector<384x384xi32>
    %iota3A_216 = tpu.iota {dimensions = array<i32: 1>} : vector<384x384xi32>
    %eq3A_217 = arith.cmpi eq, %iota3A_215, %iota3A_216 : vector<384x384xi32>
    %jit3A_218 = arith.constant 0 : i32
    %broadcast_in_dim3A_219 = vector.shape_cast %broadcast_in_dim3A_181 : vector<1x384xi32> to vector<1x384xi32>
    %broadcast_in_dim3A_220 = vector.broadcast %broadcast_in_dim3A_219 : vector<1x384xi32> to vector<384x384xi32>
    %broadcast_in_dim3A_221 = vector.broadcast %jit3A_218 : i32 to vector<384x384xi32>
    %select_n3A_222 = arith.select %eq3A_217, %broadcast_in_dim3A_220, %broadcast_in_dim3A_221 : vector<384x384xi1>, vector<384x384xi32>
    %reduce_sum3A_223 = arith.constant dense<0> : vector<384xi32>
    %reduce_sum3A_224 = vector.multi_reduction <add>, %select_n3A_222, %reduce_sum3A_223 [1] : vector<384x384xi32> to vector<384xi32>
    %broadcast_in_dim3A_225 = vector.shape_cast %reduce_sum3A_224 : vector<384xi32> to vector<384x1xi32>
    %iota3A_226 = tpu.iota {dimensions = array<i32: 0>} : vector<384x384xi32>
    %iota3A_227 = tpu.iota {dimensions = array<i32: 1>} : vector<384x384xi32>
    %eq3A_228 = arith.cmpi eq, %iota3A_226, %iota3A_227 : vector<384x384xi32>
    %jit3A_229 = arith.constant 0 : i32
    %broadcast_in_dim3A_230 = vector.shape_cast %add3A_203 : vector<1x384xi32> to vector<1x384xi32>
    %broadcast_in_dim3A_231 = vector.broadcast %broadcast_in_dim3A_230 : vector<1x384xi32> to vector<384x384xi32>
    %broadcast_in_dim3A_232 = vector.broadcast %jit3A_229 : i32 to vector<384x384xi32>
    %select_n3A_233 = arith.select %eq3A_228, %broadcast_in_dim3A_231, %broadcast_in_dim3A_232 : vector<384x384xi1>, vector<384x384xi32>
    %reduce_sum3A_234 = arith.constant dense<0> : vector<384xi32>
    %reduce_sum3A_235 = vector.multi_reduction <add>, %select_n3A_233, %reduce_sum3A_234 [1] : vector<384x384xi32> to vector<384xi32>
    %broadcast_in_dim3A_236 = vector.shape_cast %reduce_sum3A_235 : vector<384xi32> to vector<384x1xi32>
    %iota3A_237 = tpu.iota {dimensions = array<i32: 1>} : vector<384x48xi32>
    %eq3A_238 = vector.broadcast %broadcast_in_dim3A_214 : vector<384x1xi32> to vector<384x48xi32>
    %eq3A_239 = arith.cmpi eq, %eq3A_238, %iota3A_237 : vector<384x48xi32>
    %jit3A_240 = arith.constant 0 : i32
    %broadcast_in_dim3A_241 = vector.shape_cast %get3A_26 : vector<1x48xi32> to vector<1x48xi32>
    %broadcast_in_dim3A_242 = vector.broadcast %broadcast_in_dim3A_241 : vector<1x48xi32> to vector<384x48xi32>
    %broadcast_in_dim3A_243 = vector.broadcast %jit3A_240 : i32 to vector<384x48xi32>
    %select_n3A_244 = arith.select %eq3A_239, %broadcast_in_dim3A_242, %broadcast_in_dim3A_243 : vector<384x48xi1>, vector<384x48xi32>
    %reduce_sum3A_245 = arith.constant dense<0> : vector<384xi32>
    %reduce_sum3A_246 = vector.multi_reduction <add>, %select_n3A_244, %reduce_sum3A_245 [1] : vector<384x48xi32> to vector<384xi32>
    %broadcast_in_dim3A_247 = vector.shape_cast %reduce_sum3A_246 : vector<384xi32> to vector<384x1xi32>
    %lt3A_248 = arith.constant 48 : i32
    %lt3A_249 = vector.broadcast %lt3A_248 : i32 to vector<384x1xi32>
    %lt3A_250 = arith.cmpi slt, %broadcast_in_dim3A_214, %lt3A_249 : vector<384x1xi32>
    %sub3A_251 = arith.constant 16 : i32
    %sub3A_252 = vector.broadcast %sub3A_251 : i32 to vector<384x1xi32>
    %sub3A_253 = arith.subi %broadcast_in_dim3A_214, %sub3A_252 : vector<384x1xi32>
    %select_n3A_254 = arith.select %lt3A_250, %broadcast_in_dim3A_247, %sub3A_253 : vector<384x1xi1>, vector<384x1xi32>
    %iota3A_255 = tpu.iota {dimensions = array<i32: 1>} : vector<384x96xi32>
    %eq3A_256 = vector.broadcast %select_n3A_254 : vector<384x1xi32> to vector<384x96xi32>
    %eq3A_257 = arith.cmpi eq, %eq3A_256, %iota3A_255 : vector<384x96xi32>
    %jit3A_258 = arith.constant 0 : i32
    %broadcast_in_dim3A_259 = vector.shape_cast %min3A_7 : vector<1x96xi32> to vector<1x96xi32>
    %broadcast_in_dim3A_260 = vector.broadcast %broadcast_in_dim3A_259 : vector<1x96xi32> to vector<384x96xi32>
    %broadcast_in_dim3A_261 = vector.broadcast %jit3A_258 : i32 to vector<384x96xi32>
    %select_n3A_262 = arith.select %eq3A_257, %broadcast_in_dim3A_260, %broadcast_in_dim3A_261 : vector<384x96xi1>, vector<384x96xi32>
    %reduce_sum3A_263 = arith.constant dense<0> : vector<384xi32>
    %reduce_sum3A_264 = vector.multi_reduction <add>, %select_n3A_262, %reduce_sum3A_263 [1] : vector<384x96xi32> to vector<384xi32>
    %broadcast_in_dim3A_265 = vector.shape_cast %reduce_sum3A_264 : vector<384xi32> to vector<384x1xi32>
    %jit3A_266 = arith.constant 0 : i32
    %broadcast_in_dim3A_267 = vector.shape_cast %min3A_14 : vector<1x96xi32> to vector<1x96xi32>
    %broadcast_in_dim3A_268 = vector.broadcast %broadcast_in_dim3A_267 : vector<1x96xi32> to vector<384x96xi32>
    %broadcast_in_dim3A_269 = vector.broadcast %jit3A_266 : i32 to vector<384x96xi32>
    %select_n3A_270 = arith.select %eq3A_257, %broadcast_in_dim3A_268, %broadcast_in_dim3A_269 : vector<384x96xi1>, vector<384x96xi32>
    %reduce_sum3A_271 = arith.constant dense<0> : vector<384xi32>
    %reduce_sum3A_272 = vector.multi_reduction <add>, %select_n3A_270, %reduce_sum3A_271 [1] : vector<384x96xi32> to vector<384xi32>
    %broadcast_in_dim3A_273 = vector.shape_cast %reduce_sum3A_272 : vector<384xi32> to vector<384x1xi32>
    %gt3A = arith.constant 0 : i32
    %gt3A_274 = vector.broadcast %gt3A : i32 to vector<384x1xi32>
    %gt3A_275 = arith.cmpi sgt, %broadcast_in_dim3A_236, %gt3A_274 : vector<384x1xi32>
    %gt3A_276 = arith.constant 0 : i32
    %gt3A_277 = vector.broadcast %gt3A_276 : i32 to vector<384x1xi32>
    %gt3A_278 = arith.cmpi sgt, %broadcast_in_dim3A_225, %gt3A_277 : vector<384x1xi32>
    %select_n3A_279 = arith.select %gt3A_278, %broadcast_in_dim3A_265, %broadcast_in_dim3A_273 : vector<384x1xi1>, vector<384x1xi32>
    %jit3A_280 = arith.constant 0 : i32
    %broadcast_in_dim3A_281 = vector.broadcast %jit3A_280 : i32 to vector<384x1xi32>
    %select_n3A_282 = arith.select %gt3A_275, %select_n3A_279, %broadcast_in_dim3A_281 : vector<384x1xi1>, vector<384x1xi32>
    %iota3A_283 = tpu.iota {dimensions = array<i32: 1>} : vector<384x128xi32>
    %lt3A_284 = vector.broadcast %select_n3A_282 : vector<384x1xi32> to vector<384x128xi32>
    %lt3A_285 = arith.cmpi slt, %iota3A_283, %lt3A_284 : vector<384x128xi32>
    %gt3A_286 = arith.constant 0 : i32
    %gt3A_287 = vector.broadcast %gt3A_286 : i32 to vector<384x1xi32>
    %gt3A_288 = arith.cmpi sgt, %broadcast_in_dim3A_225, %gt3A_287 : vector<384x1xi32>
    %jit3A_289 = arith.constant 0 : i32
    %broadcast_in_dim3A_290 = vector.shape_cast %gt3A_288 : vector<384x1xi1> to vector<384x1xi1>
    %broadcast_in_dim3A_291 = vector.broadcast %broadcast_in_dim3A_290 : vector<384x1xi1> to vector<384x128xi1>
    %broadcast_in_dim3A_292 = vector.broadcast %jit3A_289 : i32 to vector<384x128xi32>
    %select_n3A_293 = arith.select %broadcast_in_dim3A_291, %iota3A_283, %broadcast_in_dim3A_292 : vector<384x128xi1>, vector<384x128xi32>
    %jit3A_294 = arith.constant 128 : i32
    %broadcast_in_dim3A_295 = vector.broadcast %jit3A_294 : i32 to vector<384x128xi32>
    %select_n3A_296 = arith.select %lt3A_285, %select_n3A_293, %broadcast_in_dim3A_295 : vector<384x128xi1>, vector<384x128xi32>
    %swap3A = arith.constant 0 : index
    %swap3A_297 = arith.constant 0 : index
    %swap3A_298 = vector.load %arg6[%swap3A, %swap3A_297] : memref<384x128xi32, #tpu.memory_space<vmem>>, vector<384x128xi32>
    tpu.vector_store %arg6[%swap3A, %swap3A_297], %select_n3A_296 {strides = array<i32>} : memref<384x128xi32, #tpu.memory_space<vmem>>, vector<384x128xi32>,
    %iota3A_299 = tpu.iota {dimensions = array<i32: 0>} : vector<48x48xi32>
    %iota3A_300 = tpu.iota {dimensions = array<i32: 1>} : vector<48x48xi32>
    %eq3A_301 = arith.cmpi eq, %iota3A_299, %iota3A_300 : vector<48x48xi32>
    %jit3A_302 = arith.constant 0 : i32
    %broadcast_in_dim3A_303 = vector.shape_cast %get3A_26 : vector<1x48xi32> to vector<1x48xi32>
    %broadcast_in_dim3A_304 = vector.broadcast %broadcast_in_dim3A_303 : vector<1x48xi32> to vector<48x48xi32>
    %broadcast_in_dim3A_305 = vector.broadcast %jit3A_302 : i32 to vector<48x48xi32>
    %select_n3A_306 = arith.select %eq3A_301, %broadcast_in_dim3A_304, %broadcast_in_dim3A_305 : vector<48x48xi1>, vector<48x48xi32>
    %reduce_sum3A_307 = arith.constant dense<0> : vector<48xi32>
    %reduce_sum3A_308 = vector.multi_reduction <add>, %select_n3A_306, %reduce_sum3A_307 [1] : vector<48x48xi32> to vector<48xi32>
    %broadcast_in_dim3A_309 = vector.shape_cast %reduce_sum3A_308 : vector<48xi32> to vector<48x1xi32>
    %iota3A_310 = tpu.iota {dimensions = array<i32: 1>} : vector<48x96xi32>
    %le3A = vector.broadcast %broadcast_in_dim3A_100 : vector<48x1xi32> to vector<48x96xi32>
    %le3A_311 = arith.cmpi sle, %le3A, %iota3A_310 : vector<48x96xi32>
    %add3A_312 = arith.addi %broadcast_in_dim3A_100, %add3A_78 : vector<48x1xi32>
    %lt3A_313 = vector.broadcast %add3A_312 : vector<48x1xi32> to vector<48x96xi32>
    %lt3A_314 = arith.cmpi slt, %iota3A_310, %lt3A_313 : vector<48x96xi32>
    %and3A_315 = arith.andi %le3A_311, %lt3A_314 : vector<48x96xi1>
    %convert_element_type3A_316 = arith.extui %and3A_315 : vector<48x96xi1> to vector<48x96xi32>
    %reduce_sum3A_317 = arith.constant dense<0> : vector<96xi32>
    %reduce_sum3A_318 = vector.multi_reduction <add>, %convert_element_type3A_316, %reduce_sum3A_317 [0] : vector<48x96xi32> to vector<96xi32>
    %broadcast_in_dim3A_319 = vector.shape_cast %reduce_sum3A_318 : vector<96xi32> to vector<1x96xi32>
    %jit3A_320 = arith.constant 0 : i32
    %broadcast_in_dim3A_321 = vector.shape_cast %iota3A_68 : vector<48x1xi32> to vector<48x1xi32>
    %broadcast_in_dim3A_322 = vector.broadcast %broadcast_in_dim3A_321 : vector<48x1xi32> to vector<48x96xi32>
    %broadcast_in_dim3A_323 = vector.broadcast %jit3A_320 : i32 to vector<48x96xi32>
    %select_n3A_324 = arith.select %and3A_315, %broadcast_in_dim3A_322, %broadcast_in_dim3A_323 : vector<48x96xi1>, vector<48x96xi32>
    %reduce_sum3A_325 = arith.constant dense<0> : vector<96xi32>
    %reduce_sum3A_326 = vector.multi_reduction <add>, %select_n3A_324, %reduce_sum3A_325 [0] : vector<48x96xi32> to vector<96xi32>
    %broadcast_in_dim3A_327 = vector.shape_cast %reduce_sum3A_326 : vector<96xi32> to vector<1x96xi32>
    %sub3A_328 = arith.constant 1 : i32
    %sub3A_329 = vector.broadcast %sub3A_328 : i32 to vector<1x96xi32>
    %sub3A_330 = arith.subi %sub3A_329, %broadcast_in_dim3A_319 : vector<1x96xi32>
    %mul3A_331 = arith.constant 47 : i32
    %mul3A_332 = vector.broadcast %mul3A_331 : i32 to vector<1x96xi32>
    %mul3A_333 = arith.muli %mul3A_332, %sub3A_330 : vector<1x96xi32>
    %add3A_334 = arith.addi %broadcast_in_dim3A_327, %mul3A_333 : vector<1x96xi32>
    %add3A_335 = arith.addi %broadcast_in_dim3A_100, %add3A_78 : vector<48x1xi32>
    %sub3A_336 = arith.constant 1 : i32
    %sub3A_337 = vector.broadcast %sub3A_336 : i32 to vector<48x1xi32>
    %sub3A_338 = arith.subi %add3A_335, %sub3A_337 : vector<48x1xi32>
    %eq3A_339 = vector.broadcast %sub3A_338 : vector<48x1xi32> to vector<48x96xi32>
    %eq3A_340 = arith.cmpi eq, %iota3A_310, %eq3A_339 : vector<48x96xi32>
    %convert_element_type3A_341 = arith.extui %eq3A_340 : vector<48x96xi1> to vector<48x96xi32>
    %reduce_sum3A_342 = arith.constant dense<0> : vector<96xi32>
    %reduce_sum3A_343 = vector.multi_reduction <add>, %convert_element_type3A_341, %reduce_sum3A_342 [0] : vector<48x96xi32> to vector<96xi32>
    %broadcast_in_dim3A_344 = vector.shape_cast %reduce_sum3A_343 : vector<96xi32> to vector<1x96xi32>
    %jit3A_345 = arith.constant 0 : i32
    %broadcast_in_dim3A_346 = vector.shape_cast %broadcast_in_dim3A_309 : vector<48x1xi32> to vector<48x1xi32>
    %broadcast_in_dim3A_347 = vector.broadcast %broadcast_in_dim3A_346 : vector<48x1xi32> to vector<48x96xi32>
    %broadcast_in_dim3A_348 = vector.broadcast %jit3A_345 : i32 to vector<48x96xi32>
    %select_n3A_349 = arith.select %and3A_315, %broadcast_in_dim3A_347, %broadcast_in_dim3A_348 : vector<48x96xi1>, vector<48x96xi32>
    %reduce_sum3A_350 = arith.constant dense<0> : vector<96xi32>
    %reduce_sum3A_351 = vector.multi_reduction <add>, %select_n3A_349, %reduce_sum3A_350 [0] : vector<48x96xi32> to vector<96xi32>
    %broadcast_in_dim3A_352 = vector.shape_cast %reduce_sum3A_351 : vector<96xi32> to vector<1x96xi32>
    %iota3A_353 = tpu.iota {dimensions = array<i32: 0>} : vector<384x96xi32>
    %iota3A_354 = tpu.iota {dimensions = array<i32: 1>} : vector<384x96xi32>
    %mul3A_355 = arith.constant 4 : i32
    %mul3A_356 = vector.broadcast %mul3A_355 : i32 to vector<384x96xi32>
    %mul3A_357 = arith.muli %mul3A_356, %iota3A_354 : vector<384x96xi32>
    %add3A_358 = arith.constant 0 : i32
    %add3A_359 = vector.broadcast %add3A_358 : i32 to vector<384x96xi32>
    %add3A_360 = arith.addi %mul3A_357, %add3A_359 : vector<384x96xi32>
    %eq3A_361 = arith.cmpi eq, %iota3A_353, %add3A_360 : vector<384x96xi32>
    %jit3A_362 = arith.constant 0 : i32
    %broadcast_in_dim3A_363 = vector.shape_cast %select_n3A_254 : vector<384x1xi32> to vector<384x1xi32>
    %broadcast_in_dim3A_364 = vector.broadcast %broadcast_in_dim3A_363 : vector<384x1xi32> to vector<384x96xi32>
    %broadcast_in_dim3A_365 = vector.broadcast %jit3A_362 : i32 to vector<384x96xi32>
    %select_n3A_366 = arith.select %eq3A_361, %broadcast_in_dim3A_364, %broadcast_in_dim3A_365 : vector<384x96xi1>, vector<384x96xi32>
    %reduce_sum3A_367 = arith.constant dense<0> : vector<96xi32>
    %reduce_sum3A_368 = vector.multi_reduction <add>, %select_n3A_366, %reduce_sum3A_367 [0] : vector<384x96xi32> to vector<96xi32>
    %broadcast_in_dim3A_369 = vector.shape_cast %reduce_sum3A_368 : vector<96xi32> to vector<1x96xi32>
    %mul3A_370 = arith.constant 4 : i32
    %mul3A_371 = vector.broadcast %mul3A_370 : i32 to vector<384x96xi32>
    %mul3A_372 = arith.muli %mul3A_371, %iota3A_354 : vector<384x96xi32>
    %add3A_373 = arith.constant 1 : i32
    %add3A_374 = vector.broadcast %add3A_373 : i32 to vector<384x96xi32>
    %add3A_375 = arith.addi %mul3A_372, %add3A_374 : vector<384x96xi32>
    %eq3A_376 = arith.cmpi eq, %iota3A_353, %add3A_375 : vector<384x96xi32>
    %jit3A_377 = arith.constant 0 : i32
    %broadcast_in_dim3A_378 = vector.shape_cast %select_n3A_254 : vector<384x1xi32> to vector<384x1xi32>
    %broadcast_in_dim3A_379 = vector.broadcast %broadcast_in_dim3A_378 : vector<384x1xi32> to vector<384x96xi32>
    %broadcast_in_dim3A_380 = vector.broadcast %jit3A_377 : i32 to vector<384x96xi32>
    %select_n3A_381 = arith.select %eq3A_376, %broadcast_in_dim3A_379, %broadcast_in_dim3A_380 : vector<384x96xi1>, vector<384x96xi32>
    %reduce_sum3A_382 = arith.constant dense<0> : vector<96xi32>
    %reduce_sum3A_383 = vector.multi_reduction <add>, %select_n3A_381, %reduce_sum3A_382 [0] : vector<384x96xi32> to vector<96xi32>
    %broadcast_in_dim3A_384 = vector.shape_cast %reduce_sum3A_383 : vector<96xi32> to vector<1x96xi32>
    %mul3A_385 = arith.constant 4 : i32
    %mul3A_386 = vector.broadcast %mul3A_385 : i32 to vector<384x96xi32>
    %mul3A_387 = arith.muli %mul3A_386, %iota3A_354 : vector<384x96xi32>
    %add3A_388 = arith.constant 2 : i32
    %add3A_389 = vector.broadcast %add3A_388 : i32 to vector<384x96xi32>
    %add3A_390 = arith.addi %mul3A_387, %add3A_389 : vector<384x96xi32>
    %eq3A_391 = arith.cmpi eq, %iota3A_353, %add3A_390 : vector<384x96xi32>
    %jit3A_392 = arith.constant 0 : i32
    %broadcast_in_dim3A_393 = vector.shape_cast %select_n3A_254 : vector<384x1xi32> to vector<384x1xi32>
    %broadcast_in_dim3A_394 = vector.broadcast %broadcast_in_dim3A_393 : vector<384x1xi32> to vector<384x96xi32>
    %broadcast_in_dim3A_395 = vector.broadcast %jit3A_392 : i32 to vector<384x96xi32>
    %select_n3A_396 = arith.select %eq3A_391, %broadcast_in_dim3A_394, %broadcast_in_dim3A_395 : vector<384x96xi1>, vector<384x96xi32>
    %reduce_sum3A_397 = arith.constant dense<0> : vector<96xi32>
    %reduce_sum3A_398 = vector.multi_reduction <add>, %select_n3A_396, %reduce_sum3A_397 [0] : vector<384x96xi32> to vector<96xi32>
    %broadcast_in_dim3A_399 = vector.shape_cast %reduce_sum3A_398 : vector<96xi32> to vector<1x96xi32>
    %mul3A_400 = arith.constant 4 : i32
    %mul3A_401 = vector.broadcast %mul3A_400 : i32 to vector<384x96xi32>
    %mul3A_402 = arith.muli %mul3A_401, %iota3A_354 : vector<384x96xi32>
    %add3A_403 = arith.constant 3 : i32
    %add3A_404 = vector.broadcast %add3A_403 : i32 to vector<384x96xi32>
    %add3A_405 = arith.addi %mul3A_402, %add3A_404 : vector<384x96xi32>
    %eq3A_406 = arith.cmpi eq, %iota3A_353, %add3A_405 : vector<384x96xi32>
    %jit3A_407 = arith.constant 0 : i32
    %broadcast_in_dim3A_408 = vector.shape_cast %select_n3A_254 : vector<384x1xi32> to vector<384x1xi32>
    %broadcast_in_dim3A_409 = vector.broadcast %broadcast_in_dim3A_408 : vector<384x1xi32> to vector<384x96xi32>
    %broadcast_in_dim3A_410 = vector.broadcast %jit3A_407 : i32 to vector<384x96xi32>
    %select_n3A_411 = arith.select %eq3A_406, %broadcast_in_dim3A_409, %broadcast_in_dim3A_410 : vector<384x96xi1>, vector<384x96xi32>
    %reduce_sum3A_412 = arith.constant dense<0> : vector<96xi32>
    %reduce_sum3A_413 = vector.multi_reduction <add>, %select_n3A_411, %reduce_sum3A_412 [0] : vector<384x96xi32> to vector<96xi32>
    %broadcast_in_dim3A_414 = vector.shape_cast %reduce_sum3A_413 : vector<96xi32> to vector<1x96xi32>
    %concatenate3A = tpu.concatenate %add3A_334, %broadcast_in_dim3A_344, %broadcast_in_dim3A_369, %broadcast_in_dim3A_384, %broadcast_in_dim3A_399, %broadcast_in_dim3A_414, %broadcast_in_dim3A_352 in 0 : vector<1x96xi32>, vector<1x96xi32>, vector<1x96xi32>, vector<1x96xi32>, vector<1x96xi32>, vector<1x96xi32>, vector<1x96xi32> -> vector<7x96xi32>
    %swap3A_415 = arith.constant 0 : index
    %swap3A_416 = arith.constant 0 : index
    %swap3A_417 = vector.load %arg7[%swap3A_415, %swap3A_416] : memref<7x96xi32, #tpu.memory_space<vmem>>, vector<7x96xi32>
    tpu.vector_store %arg7[%swap3A_415, %swap3A_416], %concatenate3A {strides = array<i32>} : memref<7x96xi32, #tpu.memory_space<vmem>>, vector<7x96xi32>,
    %iota3A_418 = tpu.iota {dimensions = array<i32: 1>} : vector<48x32xi32>
    %eq3A_419 = vector.broadcast %broadcast_in_dim3A_309 : vector<48x1xi32> to vector<48x32xi32>
    %eq3A_420 = arith.cmpi eq, %eq3A_419, %iota3A_418 : vector<48x32xi32>
    %convert_element_type3A_421 = arith.extui %eq3A_420 : vector<48x32xi1> to vector<48x32xi32>
    %convert_element_type3A_422 = arith.sitofp %convert_element_type3A_421 : vector<48x32xi32> to vector<48x32xf32>
    %slice3A = vector.extract_strided_slice %convert_element_type3A {offsets = [0, 0], sizes = [32, 128], strides = [1, 1]} : vector<96x128xf32> to vector<32x128xf32>
    %dot_general3A = arith.constant dense<0.000000e+00> : vector<48x128xf32>
    %dot_general3A_423 = tpu.matmul %convert_element_type3A_422, %slice3A, %dot_general3A {dimension_numbers = #tpu.dot_dimension_numbers<[1], [0], [0], [1], [0, 0, 1, 1], [], []>, transpose_lhs_hint = false} : vector<48x32xf32>, vector<32x128xf32>, vector<48x128xf32> -> vector<48x128xf32>
    %convert_element_type3A_424 = arith.fptosi %dot_general3A_423 : vector<48x128xf32> to vector<48x128xi32>
    %swap3A_425 = arith.constant 0 : index
    %swap3A_426 = arith.constant 0 : index
    %swap3A_427 = vector.load %arg8[%swap3A_425, %swap3A_426] : memref<48x128xi32, #tpu.memory_space<vmem>>, vector<48x128xi32>
    tpu.vector_store %arg8[%swap3A_425, %swap3A_426], %convert_element_type3A_424 {strides = array<i32>} : memref<48x128xi32, #tpu.memory_space<vmem>>, vector<48x128xi32>,
    %iota3A_428 = tpu.iota {dimensions = array<i32: 1>} : vector<48x96xi32>
    %eq3A_429 = vector.broadcast %broadcast_in_dim3A_309 : vector<48x1xi32> to vector<48x96xi32>
    %eq3A_430 = arith.cmpi eq, %eq3A_429, %iota3A_428 : vector<48x96xi32>
    %jit3A_431 = arith.constant 0 : i32
    %broadcast_in_dim3A_432 = vector.shape_cast %min3A_14 : vector<1x96xi32> to vector<1x96xi32>
    %broadcast_in_dim3A_433 = vector.broadcast %broadcast_in_dim3A_432 : vector<1x96xi32> to vector<48x96xi32>
    %broadcast_in_dim3A_434 = vector.broadcast %jit3A_431 : i32 to vector<48x96xi32>
    %select_n3A_435 = arith.select %eq3A_430, %broadcast_in_dim3A_433, %broadcast_in_dim3A_434 : vector<48x96xi1>, vector<48x96xi32>
    %reduce_sum3A_436 = arith.constant dense<0> : vector<48xi32>
    %reduce_sum3A_437 = vector.multi_reduction <add>, %select_n3A_435, %reduce_sum3A_436 [1] : vector<48x96xi32> to vector<48xi32>
    %broadcast_in_dim3A_438 = vector.shape_cast %reduce_sum3A_437 : vector<48xi32> to vector<48x1xi32>
    %jit3A_439 = arith.constant 0 : i32
    %broadcast_in_dim3A_440 = vector.shape_cast %min3A_7 : vector<1x96xi32> to vector<1x96xi32>
    %broadcast_in_dim3A_441 = vector.broadcast %broadcast_in_dim3A_440 : vector<1x96xi32> to vector<48x96xi32>
    %broadcast_in_dim3A_442 = vector.broadcast %jit3A_439 : i32 to vector<48x96xi32>
    %select_n3A_443 = arith.select %eq3A_430, %broadcast_in_dim3A_441, %broadcast_in_dim3A_442 : vector<48x96xi1>, vector<48x96xi32>
    %reduce_sum3A_444 = arith.constant dense<0> : vector<48xi32>
    %reduce_sum3A_445 = vector.multi_reduction <add>, %select_n3A_443, %reduce_sum3A_444 [1] : vector<48x96xi32> to vector<48xi32>
    %broadcast_in_dim3A_446 = vector.shape_cast %reduce_sum3A_445 : vector<48xi32> to vector<48x1xi32>
    %iota3A_447 = tpu.iota {dimensions = array<i32: 1>} : vector<48x128xi32>
    %ge3A = vector.broadcast %broadcast_in_dim3A_438 : vector<48x1xi32> to vector<48x128xi32>
    %ge3A_448 = arith.cmpi sge, %iota3A_447, %ge3A : vector<48x128xi32>
    %lt3A_449 = vector.broadcast %broadcast_in_dim3A_446 : vector<48x1xi32> to vector<48x128xi32>
    %lt3A_450 = arith.cmpi slt, %iota3A_447, %lt3A_449 : vector<48x128xi32>
    %and3A_451 = arith.andi %ge3A_448, %lt3A_450 : vector<48x128xi1>
    %convert_element_type3A_452 = arith.extui %and3A_451 : vector<48x128xi1> to vector<48x128xi32>
    %swap3A_453 = arith.constant 0 : index
    %swap3A_454 = arith.constant 0 : index
    %swap3A_455 = vector.load %arg9[%swap3A_453, %swap3A_454] : memref<48x128xi32, #tpu.memory_space<vmem>>, vector<48x128xi32>
    tpu.vector_store %arg9[%swap3A_453, %swap3A_454], %convert_element_type3A_452 {strides = array<i32>} : memref<48x128xi32, #tpu.memory_space<vmem>>, vector<48x128xi32>,
    return
  }
}

</mosaic_0001>

<sc_bundles>
// kernel: kernel.5.cloned.1.call-start
scs
__scs_entry_jumppad:
0x0: {  	(pc) =	sbr.rel $0x88, $3  }
0x1: {  	(tag) =	ssettag $0x0;
	lr =	simm.s32 $0x1  }
0x2: {  	[smem:$0x3F99] =	sst lr;
	_ =	strace $0xD0000000  }
0x3: {  	_ = 	snop  }
0x4: {  	_ = 	snop  }
0x5: {  	_ = 	snop  }
0x6: {  	_ = 	snop  }
0x7: {  	_ = 	snop  }
__scs_overlays_trampoline_lowered:
0x8: {  	[smem:$0x3FA8] =	sst s0  }
0x9: {  	[smem:$0x3FA9] =	sst s1  }
0xa: {  	[smem:$0x3FAA] =	sst s2  }
0xb: {  	[smem:$0x3FAB] =	sst s3  }
0xc: {  	[smem:$0x3FAC] =	sst s4  }
0xd: {  	[smem:$0x3FAD] =	sst s5  }
0xe: {  	[smem:$0x3FAE] =	sst s6  }
0xf: {  	[smem:$0x3FAF] =	sst s7  }
0x10: {  	[smem:$0x3FB0] =	sst s8  }
0x11: {  	[smem:$0x3FB1] =	sst s9;
	s0 =	simm.s32 @!p0 $0x0  }
0x12: {  	s1 =	sld [smem:$0x3F97];
	s0 =	simm.s32 @p0 $0x1  }
0x13: {  	[smem:$0x3FB2] =	sst s0;
	s0 =	simm.s32 @!p1 $0x0  }
0x14: {  	s2 =	sld [smem:$0x3F96];
	s0 =	simm.s32 @p1 $0x1  }
0x15: {  	[smem:$0x3FB3] =	sst s0;
	s0 =	simm.s32 @!p2 $0x0  }
0x16: {  	s3 =	sld [smem:$0x3FDB];
	s0 =	simm.s32 @p2 $0x1  }
0x17: {  	s4 =	simm.s32 $0x1BF5;
	[smem:$0x3FB5] =	sst s0  }
0x18: {  	s0 =	sld [smem:$0x3F98];
	_ =	swait.ge [sflag:s4], $0x0  }
0x19: {  	s7 =	sld [smem:$0x3F99]  }
0x1a: {  	s8 =	sadd.s32 $0xFFFFE003, lr  }
0x1b: {  	s9 =	sadd.s32 $0xFFFFFEF7, lr;
	s5 =	simm.s32 $0xFFFFFFFF;
	p2 =	slt.u32 s8, $0xFFFFF086  }
0x1c: {  	p1 =	slt.u32 s9, $0xF7A;
	s5 =	simm.s32 @!p2 $0x0  }
0x1d: {  	s5 =	simm.s32 @p1 $0x1;
	p0 =	seq.s32 s7, s2  }
0x1e: {  	s7 =	smul.u32 @!p0 $0xF7A, s2;
	p2 =	seq.s32 @!p0 s5, $0x0  }
0x1f: {  	s9 =	smul.u32 $0xF7A, s1;
	s8 =	simm.s32 @!p0 $0x1BF5;
	p2 =	por !p2, p0  }
0x20: {  	[sflag:s8] =	ssyncset.s32 @!p0 $0xFFFFF086;
	s6 =	sadd.s32 @!p0 s3, s7;
	s7 =	simm.s32 @!p0 $0x108  }
0x21: {  	s3 =	sadd.s32 s3, s9;
	s6 =	sadd.s32 @!p0 $0x88, s6;
	s7 =	simm.s32 @p2 $0x1082  }
0x22: {  	[simem:s7], [sflag:s8] =	dma.local @!p0 [hbm:s6], $0xF7A  }
0x23: {  	s9 =	sor.u32 $0xD0000000, s2;
	s6 =	simm.s32 $0x108;
	_ =	swait.ge @!p0 [sflag:s8], $0x0  }
0x24: {  	s3 =	sadd.s32 $0x88, s3;
	s6 =	simm.s32 @!p1 $0x1082;
	[sflag:s4] =	ssyncset.s32 $0xFFFFF086  }
0x25: {  	[simem:s6], [sflag:s4] =	dma.local [hbm:s3], $0xF7A  }
0x26: {  	[smem:$0x3F99] =	sst s1;
	(tag) =	ssettag s2;
	_ =	strace s9  }
0x27: {  	s1 =	sld [smem:$0x3FA9]  }
0x28: {  	s2 =	sld [smem:$0x3FAA]  }
0x29: {  	s4 =	sld [smem:$0x3FAC]  }
0x2a: {  	p0 =	seq.s32 s5, $0x0;
	s5 =	sld [smem:$0x3FAD]  }
0x2b: {  	s6 =	sld [smem:$0x3FAE]  }
0x2c: {  	s7 =	sld [smem:$0x3FAF]  }
0x2d: {  	s3 =	simm.s32 $0x108;
	s8 =	sld [smem:$0x3FB0]  }
0x2e: {  	s3 =	simm.s32 @!p0 $0x1082;
	s9 =	sld [smem:$0x3FB1]  }
0x2f: {  	lr =	sadd.s32 s0, s3;
	s0 =	sld [smem:$0x3FA8]  }
0x30: {  	s3 =	sld [smem:$0x3FAB]  }
0x31: {  	[smem:$0x3FB4] =	sst s10  }
0x32: {  	s10 =	sld [smem:$0x3FB2];
	_ =	sdelay $0x3  }
0x33: {  	p0 =	seq.s32 s10, $0x1;
	s10 =	sld [smem:$0x3FB4];
	_ =	sdelay $0x3  }
0x34: {  	[smem:$0x3FB4] =	sst s10  }
0x35: {  	s10 =	sld [smem:$0x3FB3];
	_ =	sdelay $0x3  }
0x36: {  	p1 =	seq.s32 s10, $0x1;
	s10 =	sld [smem:$0x3FB4];
	_ =	sdelay $0x3  }
0x37: {  	[smem:$0x3FB4] =	sst s10  }
0x38: {  	s10 =	sld [smem:$0x3FB5]  }
0x39: {  	_ = 	snop;
	(pc) =	sbr.ind lr, $3  }
0x3a: {  	_ = 	snop  }
0x3b: {  	_ = 	snop  }
0x3c: {  	p2 =	seq.s32 s10, $0x1;
	s10 =	sld [smem:$0x3FB4]  }
0x3d: {  	_ =	shalt  }
0x3e: {  	_ =	shalt  }
0x3f: {  	_ =	shalt  }
0x40: {  	_ =	shalt  }
0x41: {  	_ =	shalt  }
0x42: {  	_ =	shalt  }
0x43: {  	_ =	shalt  }
0x44: {  	_ =	shalt  }
0x45: {  	_ =	shalt  }
0x46: {  	_ =	shalt  }
0x47: {  	_ =	shalt  }
0x48: {  	_ =	shalt  }
0x49: {  	_ =	shalt  }
0x4a: {  	_ =	shalt  }
0x4b: {  	_ =	shalt  }
0x4c: {  	_ =	shalt  }
0x4d: {  	_ =	shalt  }
0x4e: {  	_ =	shalt  }
0x4f: {  	_ =	shalt  }
0x50: {  	_ =	shalt  }
0x51: {  	_ =	shalt  }
0x52: {  	_ =	shalt  }
0x53: {  	_ =	shalt  }
0x54: {  	_ =	shalt  }
0x55: {  	_ =	shalt  }
0x56: {  	_ =	shalt  }
0x57: {  	_ =	shalt  }
0x58: {  	_ =	shalt  }
0x59: {  	_ =	shalt  }
0x5a: {  	_ =	shalt  }
0x5b: {  	_ =	shalt  }
0x5c: {  	_ =	shalt  }
0x5d: {  	_ =	shalt  }
0x5e: {  	_ =	shalt  }
0x5f: {  	_ =	shalt  }
0x60: {  	_ =	shalt  }
0x61: {  	_ =	shalt  }
0x62: {  	_ =	shalt  }
0x63: {  	_ =	shalt  }
0x64: {  	_ =	shalt  }
0x65: {  	_ =	shalt  }
0x66: {  	_ =	shalt  }
0x67: {  	_ =	shalt  }
0x68: {  	_ =	shalt  }
0x69: {  	_ =	shalt  }
0x6a: {  	_ =	shalt  }
0x6b: {  	_ =	shalt  }
0x6c: {  	_ =	shalt  }
0x6d: {  	_ =	shalt  }
0x6e: {  	_ =	shalt  }
0x6f: {  	_ =	shalt  }
0x70: {  	_ =	shalt  }
0x71: {  	_ =	shalt  }
0x72: {  	_ =	shalt  }
0x73: {  	_ =	shalt  }
0x74: {  	_ =	shalt  }
0x75: {  	_ =	shalt  }
0x76: {  	_ =	shalt  }
0x77: {  	_ =	shalt  }
0x78: {  	_ =	shalt  }
0x79: {  	_ =	shalt  }
0x7a: {  	_ =	shalt  }
0x7b: {  	_ =	shalt  }
0x7c: {  	_ =	shalt  }
0x7d: {  	_ =	shalt  }
0x7e: {  	_ =	shalt  }
0x7f: {  	_ =	shalt  }
0x80: {  	_ =	shalt  }
0x81: {  	_ =	shalt  }
0x82: {  	_ =	shalt  }
0x83: {  	_ =	shalt  }
0x84: {  	_ =	shalt  }
0x85: {  	_ =	shalt  }
0x86: {  	_ =	shalt  }
0x87: {  	_ =	shalt  }
.Lfunc_end0:
.L_simem_size_0:
called_computation_lowered:
.L_overlay_start_0:
0x88: {  	s2 =	sld [smem:$0x3FD9]  }
0x89: {  	s3 =	sld [smem:$0x3FFE];
	_ =	sdelay $0x1  }
0x8a: {  	s1 =	srdreg.scid  }
0x8b: {  	s0 =	sand.u32 $0x1, s1  }
0x8c: {  	s14 =	sshll.u32 s0, $0xA;
	s2 =	sadd.s32 s3, s2  }
0x8d: {  	s2 =	sadd.s32 s2, s14  }
0x8e: {  	[smem:$0x3FC0] =	sst s2  }
0x8f: {  	_ = 	snop  }
0x90: {  	s2 =	sld [smem:$0x3FD0];
	_ =	sdelay $0x2  }
0x91: {  	s4 =	simm.s32 $0xA;
	s5 =	simm.s32 $0x10;
	s15 =	sld [smem:$0x3FC9]  }
0x92: {  	[smem:s5], [sflag:s4] =	dma.local [hbm:s2], $0x1  }
0x93: {  	_ =	swait.eq [sflag:s4], $0x1  }
0x94: {  	[sflag:s4] =	ssyncset.done $0x0  }
0x95: {  	[sflag:s4] =	ssyncadd.s32 $0xFFFFFFFF  }
0x96: {  	s16 =	sld [smem:$0x10];
	(tm) =	ssettm $0x1  }
0x97: {  	s17 =	sld [smem:$0x3FFB];
	_ =	sdelay $0x3  }
0x98: {  	_ =	strace s17  }
0x99: {  	s4 =	sld [smem:$0x3FFC];
	_ =	sdelay $0x3  }
0x9a: {  	_ =	strace s4  }
0x9b: {  	s4 =	sld [smem:$0x3FFD];
	_ =	sdelay $0x3  }
0x9c: {  	_ =	strace s4  }
0x9d: {  	_ =	strace $0x8FFFFFFF  }
0x9e: {  	s18 =	sld [smem:$0x3FDB];
	_ =	sdelay $0x1  }
0x9f: {  	s19 =	simm.s32 $_scs_section_size  }
0xa0: {  	s6 =	simm.s32 $_size__tile_overlayer_lowered;
	s7 =	simm.s32 $_tile_overlayer_lowered  }
0xa1: {  	s22 =	simm.s32 $0x1BFF;
	s21 =	sshll.u32 s7, $0x1;
	s4 =	sadd.s32 s19, s18  }
0xa2: {  	s8 =	simm.s32 $0x0;
	s20 =	sshll.u32 s6, $0x1;
	s6 =	sadd.s32 s21, s4  }
0xa3: {  	[timem:s8], [sflag:s22] =	dma.local [hbm:s6], s20  }
0xa4: {  	_ =	swait.ge [sflag:s22], s20  }
0xa5: {  	s5 =	ssub.s32 $0x0, s20;
	[sflag:s22] =	ssyncset.done $0x0  }
0xa6: {  	[sflag:s22] =	ssyncadd.s32 s5;
	_ =	sdelay $0x1  }
0xa7: {  	s23 =	simm.s32 $0x1B8B  }
0xa8: {  	_ =	swait.ge [sflag:s23], $0x1  }
0xa9: {  	[sflag:s23] =	ssyncset.done $0x0  }
0xaa: {  	s25 =	simm.s32 $0x1B8E;
	s24 =	sld [smem:$0x3FFE];
	[sflag:s23] =	ssyncadd.s32 $0xFFFFFFFF  }
0xab: {  	s26 =	simm.s32 $execute0_lowered;
	[smem:$0x3FD2] =	sst s25  }
0xac: {  	s6 =	sshll.u32 s26, $0x1;
	_ =	strace $0x80000046;
	[dreg:$0x1] =	wrdreg $0xFFFFFFFF  }
0xad: {  	s28 =	simm.s32 $_size_execute0_lowered;
	s4 =	sadd.s32 s4, s6;
	[dreg:$0x0] =	wrdreg $0x0  }
0xae: {  	s6 =	sshll.u32 s28, $0x1;
	[dreg:$0x2] =	wrdreg s4  }
0xaf: {  	[dreg:$0x3] =	wrdreg s6  }
0xb0: {  	[dreg:$0x4] =	wrdreg $0xC0  }
0xb1: {  	_ =	task [dreg:s8], $0x5FFFF  }
0xb2: {  	[dreg:$0x1] =	wrdreg $0xFFFFFFFF  }
0xb3: {  	[dreg:$0x0] =	wrdreg $0x60  }
0xb4: {  	[dreg:$0x2] =	wrdreg s15  }
0xb5: {  	[dreg:$0x3] =	wrdreg s16  }
0xb6: {  	[dreg:$0x4] =	wrdreg s24  }
0xb7: {  	[dreg:$0x5] =	wrdreg $0x9  }
0xb8: {  	_ =	task.clear_ibuf [dreg:s8], $0x6FFFF;
	_ =	strace $0x90000046  }
0xb9: {  	s29 =	simm.s32 $0x9;
	_ =	strace $0x80000048  }
0xba: {  	_ =	swait.ge [sflag:s29], $0x1  }
0xbb: {  	[sflag:s29] =	ssyncadd.s32 $0xFFFFFFFF  }
0xbc: {  	_ =	strace $0x90000048  }
0xbd: {  	_ =	sfence  }
0xbe: {  	s30 =	sld [smem:$0x0];
	_ =	sdelay $0x2  }
0xbf: {  	s31 =	sshll.u32 s1, $0xD;
	s1 =	sshrl.u32 s1, $0x2  }
0xc0: {  	s3 =	sand.u32 $0x4000, s31;
	s1 =	sadd.s32 s1, s30  }
0xc1: {  	s0 =	sor.u32 s3, s0;
	s1 =	sshll.u32 s1, $0x11  }
0xc2: {  	s0 =	sor.u32 s1, s0  }
0xc3: {  	s0 =	sadd.s32 $0x8F2B, s0  }
0xc4: {  	[sflag:s0] =	ssyncadd.remote.s32 $0x1  }
0xc5: {  	_ =	sfence.sel $0xFFFF  }
0xc6: {  	[dreg:$0x0] =	wrdreg $0xFFFFFFFF;
	(pc) =	sbr.abs _section_cstart, $3  }
0xc7: {  	[dreg:$0x1] =	wrdreg $0xFFFFFFFF  }
0xc8: {  	_ =	task.clear_ibuf [dreg:s8], $0x2FFFF;
	_ =	strace $0x9FFFFFFF  }
0xc9: {  	(tm) =	ssettm $0x7FFFFFFF  }
tec
execute0_lowered:
.L_overlay_start_1:
0x0: {  	(tag) =	ssettag $0x1  }
0x1: {  	s0 =	srdreg.scid;
	s1 =	rddreg [dreg:$0x0]  }
0x2: {  	s2 =	stileid.u32;
	s5 =	rddreg [dreg:$0x2];
	s9 =	simm.s32 $0x1180  }
0x3: {  	s10 =	simm.s32 $0x1980;
	s11 =	simm.s32 $0x2180;
	s12 =	simm.s32 $0x2980  }
0x4: {  	s13 =	simm.s32 $0x3180;
	s14 =	simm.s32 $0x3980;
	s15 =	simm.s32 $0x4180  }
0x5: {  	s16 =	simm.s32 $0x4980;
	s17 =	simm.s32 $0x5180;
	s18 =	simm.s32 $0x5980  }
0x6: {  	s19 =	simm.s32 $0x6180;
	s20 =	simm.s32 $0x6980;
	s21 =	simm.s32 $0x7180  }
0x7: {  	s28 =	simm.s32 $0xA180;
	s29 =	simm.s32 $0xA980;
	s30 =	simm.s32 $0xB180  }
0x8: {  	s31 =	simm.s32 $0xB980;
	s0 =	sand.u32 $0x1, s0;
	s3 =	sshll.u32 s2, $0x1  }
0x9: {  	s2 =	rddreg [dreg:$0x1];
	s5 =	sadd.s32 $0x1400, s5;
	s4 =	sor.u32 s0, s3  }
0xa: {  	s3 =	simm.s32 $0x0;
	s0 =	ssub.s32 $0x2, s0;
	s6 =	smul.u32 $0x30, s4  }
0xb: {  	s7 =	smul.u32 $0x3000, s4;
	[smem:$0x7FF] =	sst s3;
	s24 =	sshrl.u32 s0, $0x1  }
0xc: {  	s8 =	smul.u32 $0x18000, s4;
	_ =	strace $0x80000047;
	s0 =	ssub.s32 s0, s24  }
0xd: {  	s24 =	simm.s32 $0x8980;
	s1 =	sadd.s32 s1, s6;
	s4 =	sadd.s32 s5, s7  }
0xe: {  	s22 =	sshrl.u32 s8, $0x3;
	s6 =	simm.s32 $0x3;
	s7 =	simm.s32 $0x180  }
0xf: {  	[dreg:$0x4] =	wrdreg s1;
	s23 =	sadd.s32 $0xC00, s4;
	s5 =	sadd.s32 s5, s22  }
0x10: {  	s22 =	simm.s32 $0x7980;
	s1 =	simm.s32 $0x1;
	[dreg:$0x5] =	wrdreg s23  }
0x11: {  	v2 =	vlaneseq.u32;
	s25 =	sadd.s32 $0x1800, s5;
	s26 =	sadd.s32 $0x2400, s5;
	s5 =	smax.u32 s0, $0x1  }
0x12: {  	vm0 =	vmmov $0xffff;
	v1 =	vshrl.u32 v2, $0x3;
	s23 =	simm.s32 $0x8180;
	s0 =	simm.s32 $0x2;
	[dreg:$0x6] =	wrdreg s25  }
0x13: {  	v0 =	vand.u32 $0x7, v2;
	v2 =	vor.u32 $0x8, v2;
	v1 =	vmul.u32 $0x8, v1;
	[dreg:$0x7] =	wrdreg s26;
	s25 =	simm.s32 $0x9180;
	s26 =	simm.s32 $0x9980  }
.LBB2_1:
0x14: {  	s8 =	rddreg [dreg:$0x4]  }
0x15: {  	[tilespmem:s3], [sflag:$0x3] =	stream.linear.gather [hbm4b:s8+s3], $0x180, $0x38;
	[tilespmem:$0xC180] =	vst v63  }
0x16: {  	_ =	swait.ge [sflag:s6], $0x180  }
0x17: {  	[sflag:s6] =	ssyncset.done $0x0  }
0x18: {  	[sflag:s6] =	ssyncadd.s32 $0xFFFFFE80  }
0x19: {  	v3 =	vld [tilespmem:$0x0];
	_ =	sdelay $0x4  }
0x1a: {  	v4 =	vshll.u32 v3, $0x1  }
0x1b: {  	v3 =	vand.u32 $0x7, v3;
	v4 =	vand.u32 $0xFFFFFFF0, v4  }
0x1c: {  	v3 =	vor.u32 v3, v4  }
0x1d: {  	v4 =	vperm.xlane v3, v0;
	_ =	sdelay $0x1  }
0x1e: {  	v3 =	vperm.xlane v3, v2;
	v4 =	vadd.s32 v1, v4;
	_ =	sdelay $0x1  }
0x1f: {  	v3 =	vadd.s32 v1, v3;
	_ =	sdelay $0x2  }
0x20: {  	[tilespmem:s7], [sflag:$0x1] =	stream.indirect_vreg.gather [hbm4b:s2+s3], $0x80, v4, vm0, $0xb8;
	[tilespmem:$0xC180] =	vst v63  }
0x21: {  	s8 =	simm.s32 $0x980  }
0x22: {  	[tilespmem:s8], [sflag:$0x1] =	stream.indirect_vreg.gather [hbm4b:s2+s3], $0x80, v3, vm0, $0xb8;
	[tilespmem:$0xC180] =	vst v63  }
0x23: {  	v3 =	vld [tilespmem:$0x10];
	_ =	sdelay $0x4  }
0x24: {  	v41 =	vshll.u32 v3, $0x1  }
0x25: {  	v3 =	vand.u32 $0x7, v3;
	v4 =	vand.u32 $0xFFFFFFF0, v41  }
0x26: {  	v3 =	vor.u32 v3, v4  }
0x27: {  	v4 =	vperm.xlane v3, v0;
	_ =	sdelay $0x1  }
0x28: {  	v3 =	vperm.xlane v3, v2;
	v4 =	vadd.s32 v1, v4;
	_ =	sdelay $0x1  }
0x29: {  	v3 =	vadd.s32 v1, v3;
	_ =	sdelay $0x2  }
0x2a: {  	[tilespmem:s9], [sflag:$0x1] =	stream.indirect_vreg.gather [hbm4b:s2+s3], $0x80, v4, vm0, $0xb8;
	[tilespmem:$0xC180] =	vst v63  }
0x2b: {  	_ = 	snop  }
0x2c: {  	[tilespmem:s10], [sflag:$0x1] =	stream.indirect_vreg.gather [hbm4b:s2+s3], $0x80, v3, vm0, $0xb8;
	[tilespmem:$0xC180] =	vst v63  }
0x2d: {  	v3 =	vld [tilespmem:$0x20];
	_ =	sdelay $0x4  }
0x2e: {  	v42 =	vshll.u32 v3, $0x1  }
0x2f: {  	v3 =	vand.u32 $0x7, v3;
	v4 =	vand.u32 $0xFFFFFFF0, v42  }
0x30: {  	v3 =	vor.u32 v3, v4  }
0x31: {  	v4 =	vperm.xlane v3, v0;
	_ =	sdelay $0x1  }
0x32: {  	v3 =	vperm.xlane v3, v2;
	v4 =	vadd.s32 v1, v4;
	_ =	sdelay $0x1  }
0x33: {  	v3 =	vadd.s32 v1, v3;
	_ =	sdelay $0x2  }
0x34: {  	[tilespmem:s11], [sflag:$0x1] =	stream.indirect_vreg.gather [hbm4b:s2+s3], $0x80, v4, vm0, $0xb8;
	[tilespmem:$0xC180] =	vst v63  }
0x35: {  	_ = 	snop  }
0x36: {  	[tilespmem:s12], [sflag:$0x1] =	stream.indirect_vreg.gather [hbm4b:s2+s3], $0x80, v3, vm0, $0xb8;
	[tilespmem:$0xC180] =	vst v63  }
0x37: {  	v3 =	vld [tilespmem:$0x30];
	_ =	sdelay $0x4  }
0x38: {  	v43 =	vshll.u32 v3, $0x1  }
0x39: {  	v3 =	vand.u32 $0x7, v3;
	v4 =	vand.u32 $0xFFFFFFF0, v43  }
0x3a: {  	v3 =	vor.u32 v3, v4  }
0x3b: {  	v4 =	vperm.xlane v3, v0;
	_ =	sdelay $0x1  }
0x3c: {  	v3 =	vperm.xlane v3, v2;
	v4 =	vadd.s32 v1, v4;
	_ =	sdelay $0x1  }
0x3d: {  	v3 =	vadd.s32 v1, v3;
	_ =	sdelay $0x2  }
0x3e: {  	[tilespmem:s13], [sflag:$0x1] =	stream.indirect_vreg.gather [hbm4b:s2+s3], $0x80, v4, vm0, $0xb8;
	[tilespmem:$0xC180] =	vst v63  }
0x3f: {  	_ = 	snop  }
0x40: {  	[tilespmem:s14], [sflag:$0x1] =	stream.indirect_vreg.gather [hbm4b:s2+s3], $0x80, v3, vm0, $0xb8;
	[tilespmem:$0xC180] =	vst v63  }
0x41: {  	v3 =	vld [tilespmem:$0x40];
	_ =	sdelay $0x4  }
0x42: {  	v44 =	vshll.u32 v3, $0x1  }
0x43: {  	v3 =	vand.u32 $0x7, v3;
	v4 =	vand.u32 $0xFFFFFFF0, v44  }
0x44: {  	v3 =	vor.u32 v3, v4  }
0x45: {  	v4 =	vperm.xlane v3, v0;
	_ =	sdelay $0x1  }
0x46: {  	v3 =	vperm.xlane v3, v2;
	v4 =	vadd.s32 v1, v4;
	_ =	sdelay $0x1  }
0x47: {  	v3 =	vadd.s32 v1, v3;
	_ =	sdelay $0x2  }
0x48: {  	[tilespmem:s15], [sflag:$0x1] =	stream.indirect_vreg.gather [hbm4b:s2+s3], $0x80, v4, vm0, $0xb8;
	[tilespmem:$0xC180] =	vst v63  }
0x49: {  	_ = 	snop  }
0x4a: {  	[tilespmem:s16], [sflag:$0x1] =	stream.indirect_vreg.gather [hbm4b:s2+s3], $0x80, v3, vm0, $0xb8;
	[tilespmem:$0xC180] =	vst v63  }
0x4b: {  	v3 =	vld [tilespmem:$0x50];
	_ =	sdelay $0x4  }
0x4c: {  	v45 =	vshll.u32 v3, $0x1  }
0x4d: {  	v3 =	vand.u32 $0x7, v3;
	v4 =	vand.u32 $0xFFFFFFF0, v45  }
0x4e: {  	v3 =	vor.u32 v3, v4  }
0x4f: {  	v4 =	vperm.xlane v3, v0;
	_ =	sdelay $0x1  }
0x50: {  	v3 =	vperm.xlane v3, v2;
	v4 =	vadd.s32 v1, v4;
	_ =	sdelay $0x1  }
0x51: {  	v3 =	vadd.s32 v1, v3;
	_ =	sdelay $0x2  }
0x52: {  	[tilespmem:s17], [sflag:$0x1] =	stream.indirect_vreg.gather [hbm4b:s2+s3], $0x80, v4, vm0, $0xb8;
	[tilespmem:$0xC180] =	vst v63  }
0x53: {  	_ = 	snop  }
0x54: {  	[tilespmem:s18], [sflag:$0x1] =	stream.indirect_vreg.gather [hbm4b:s2+s3], $0x80, v3, vm0, $0xb8;
	[tilespmem:$0xC180] =	vst v63  }
0x55: {  	v3 =	vld [tilespmem:$0x60];
	_ =	sdelay $0x4  }
0x56: {  	v46 =	vshll.u32 v3, $0x1  }
0x57: {  	v3 =	vand.u32 $0x7, v3;
	v4 =	vand.u32 $0xFFFFFFF0, v46  }
0x58: {  	v3 =	vor.u32 v3, v4  }
0x59: {  	v4 =	vperm.xlane v3, v0;
	_ =	sdelay $0x1  }
0x5a: {  	v3 =	vperm.xlane v3, v2;
	v4 =	vadd.s32 v1, v4;
	_ =	sdelay $0x1  }
0x5b: {  	v3 =	vadd.s32 v1, v3;
	_ =	sdelay $0x2  }
0x5c: {  	[tilespmem:s19], [sflag:$0x2] =	stream.indirect_vreg.gather [hbm4b:s2+s3], $0x80, v4, vm0, $0xb8;
	[tilespmem:$0xC180] =	vst v63  }
0x5d: {  	_ = 	snop  }
0x5e: {  	[tilespmem:s20], [sflag:$0x2] =	stream.indirect_vreg.gather [hbm4b:s2+s3], $0x80, v3, vm0, $0xb8;
	[tilespmem:$0xC180] =	vst v63  }
0x5f: {  	v3 =	vld [tilespmem:$0x70];
	_ =	sdelay $0x4  }
0x60: {  	v47 =	vshll.u32 v3, $0x1  }
0x61: {  	v3 =	vand.u32 $0x7, v3;
	v4 =	vand.u32 $0xFFFFFFF0, v47  }
0x62: {  	v3 =	vor.u32 v3, v4  }
0x63: {  	v4 =	vperm.xlane v3, v0;
	_ =	sdelay $0x1  }
0x64: {  	v3 =	vperm.xlane v3, v2;
	v4 =	vadd.s32 v1, v4;
	_ =	sdelay $0x1  }
0x65: {  	v3 =	vadd.s32 v1, v3;
	_ =	sdelay $0x2  }
0x66: {  	[tilespmem:s21], [sflag:$0x2] =	stream.indirect_vreg.gather [hbm4b:s2+s3], $0x80, v4, vm0, $0xb8;
	[tilespmem:$0xC180] =	vst v63  }
0x67: {  	_ = 	snop  }
0x68: {  	[tilespmem:s22], [sflag:$0x2] =	stream.indirect_vreg.gather [hbm4b:s2+s3], $0x80, v3, vm0, $0xb8;
	[tilespmem:$0xC180] =	vst v63  }
0x69: {  	v3 =	vld [tilespmem:$0x80];
	_ =	sdelay $0x4  }
0x6a: {  	v48 =	vshll.u32 v3, $0x1  }
0x6b: {  	v3 =	vand.u32 $0x7, v3;
	v4 =	vand.u32 $0xFFFFFFF0, v48  }
0x6c: {  	v3 =	vor.u32 v3, v4  }
0x6d: {  	v4 =	vperm.xlane v3, v0;
	_ =	sdelay $0x1  }
0x6e: {  	v3 =	vperm.xlane v3, v2;
	v4 =	vadd.s32 v1, v4;
	_ =	sdelay $0x1  }
0x6f: {  	v3 =	vadd.s32 v1, v3;
	_ =	sdelay $0x2  }
0x70: {  	[tilespmem:s23], [sflag:$0x2] =	stream.indirect_vreg.gather [hbm4b:s2+s3], $0x80, v4, vm0, $0xb8;
	[tilespmem:$0xC180] =	vst v63  }
0x71: {  	_ = 	snop  }
0x72: {  	[tilespmem:s24], [sflag:$0x2] =	stream.indirect_vreg.gather [hbm4b:s2+s3], $0x80, v3, vm0, $0xb8;
	[tilespmem:$0xC180] =	vst v63  }
0x73: {  	v3 =	vld [tilespmem:$0x90];
	_ =	sdelay $0x4  }
0x74: {  	v49 =	vshll.u32 v3, $0x1  }
0x75: {  	v3 =	vand.u32 $0x7, v3;
	v4 =	vand.u32 $0xFFFFFFF0, v49  }
0x76: {  	v3 =	vor.u32 v3, v4  }
0x77: {  	v4 =	vperm.xlane v3, v0;
	_ =	sdelay $0x1  }
0x78: {  	v3 =	vperm.xlane v3, v2;
	v4 =	vadd.s32 v1, v4;
	_ =	sdelay $0x1  }
0x79: {  	v3 =	vadd.s32 v1, v3;
	_ =	sdelay $0x2  }
0x7a: {  	[tilespmem:s25], [sflag:$0x2] =	stream.indirect_vreg.gather [hbm4b:s2+s3], $0x80, v4, vm0, $0xb8;
	[tilespmem:$0xC180] =	vst v63  }
0x7b: {  	_ = 	snop  }
0x7c: {  	[tilespmem:s26], [sflag:$0x2] =	stream.indirect_vreg.gather [hbm4b:s2+s3], $0x80, v3, vm0, $0xb8;
	[tilespmem:$0xC180] =	vst v63  }
0x7d: {  	v3 =	vld [tilespmem:$0xA0];
	_ =	sdelay $0x4  }
0x7e: {  	v50 =	vshll.u32 v3, $0x1  }
0x7f: {  	v3 =	vand.u32 $0x7, v3;
	v4 =	vand.u32 $0xFFFFFFF0, v50  }
0x80: {  	v3 =	vor.u32 v3, v4  }
0x81: {  	v4 =	vperm.xlane v3, v0;
	_ =	sdelay $0x1  }
0x82: {  	v3 =	vperm.xlane v3, v2;
	v4 =	vadd.s32 v1, v4;
	_ =	sdelay $0x1  }
0x83: {  	v3 =	vadd.s32 v1, v3;
	_ =	sdelay $0x2  }
0x84: {  	[tilespmem:s28], [sflag:$0x2] =	stream.indirect_vreg.gather [hbm4b:s2+s3], $0x80, v4, vm0, $0xb8;
	[tilespmem:$0xC180] =	vst v63  }
0x85: {  	_ = 	snop  }
0x86: {  	[tilespmem:s29], [sflag:$0x2] =	stream.indirect_vreg.gather [hbm4b:s2+s3], $0x80, v3, vm0, $0xb8;
	[tilespmem:$0xC180] =	vst v63  }
0x87: {  	v3 =	vld [tilespmem:$0xB0];
	_ =	sdelay $0x4  }
0x88: {  	v51 =	vshll.u32 v3, $0x1  }
0x89: {  	v3 =	vand.u32 $0x7, v3;
	v4 =	vand.u32 $0xFFFFFFF0, v51  }
0x8a: {  	v3 =	vor.u32 v3, v4  }
0x8b: {  	v4 =	vperm.xlane v3, v0;
	_ =	sdelay $0x1  }
0x8c: {  	v3 =	vperm.xlane v3, v2;
	v4 =	vadd.s32 v1, v4;
	_ =	sdelay $0x1  }
0x8d: {  	v3 =	vadd.s32 v1, v3;
	_ =	sdelay $0x2  }
0x8e: {  	[tilespmem:s30], [sflag:$0x2] =	stream.indirect_vreg.gather [hbm4b:s2+s3], $0x80, v4, vm0, $0xb8;
	[tilespmem:$0xC180] =	vst v63  }
0x8f: {  	_ = 	snop  }
0x90: {  	[tilespmem:s31], [sflag:$0x2] =	stream.indirect_vreg.gather [hbm4b:s2+s3], $0x80, v3, vm0, $0xb8;
	[tilespmem:$0xC180] =	vst v63  }
0x91: {  	_ =	swait.ge [sflag:s1], $0x6000  }
0x92: {  	[sflag:s1] =	ssyncset.done $0x0  }
0x93: {  	[sflag:s1] =	ssyncadd.s32 $0xFFFFA000  }
0x94: {  	[hbm4b:s4+s3] =	stream.linear.scatter [tilespmem:s7], [sflag:$0x3], $0x6000, $0x38;
	[tilespmem:$0xC180] =	vst v63  }
0x95: {  	_ =	swait.ge [sflag:s6], $0x6000  }
0x96: {  	[sflag:s6] =	ssyncset.done $0x0  }
0x97: {  	[sflag:s6] =	ssyncadd.s32 $0xFFFFA000  }
0x98: {  	v3 =	vld [tilespmem:$0xC0];
	_ =	sdelay $0x4  }
0x99: {  	v52 =	vshll.u32 v3, $0x1  }
0x9a: {  	v3 =	vand.u32 $0x7, v3;
	v4 =	vand.u32 $0xFFFFFFF0, v52  }
0x9b: {  	v3 =	vor.u32 v3, v4  }
0x9c: {  	v4 =	vperm.xlane v3, v0;
	_ =	sdelay $0x1  }
0x9d: {  	v3 =	vperm.xlane v3, v2;
	v4 =	vadd.s32 v1, v4;
	_ =	sdelay $0x1  }
0x9e: {  	v3 =	vadd.s32 v1, v3;
	_ =	sdelay $0x2  }
0x9f: {  	[tilespmem:s7], [sflag:$0x1] =	stream.indirect_vreg.gather [hbm4b:s2+s3], $0x80, v4, vm0, $0xb8;
	[tilespmem:$0xC180] =	vst v63  }
0xa0: {  	_ = 	snop  }
0xa1: {  	[tilespmem:s8], [sflag:$0x1] =	stream.indirect_vreg.gather [hbm4b:s2+s3], $0x80, v3, vm0, $0xb8;
	[tilespmem:$0xC180] =	vst v63  }
0xa2: {  	v3 =	vld [tilespmem:$0xD0];
	_ =	sdelay $0x4  }
0xa3: {  	v53 =	vshll.u32 v3, $0x1  }
0xa4: {  	v3 =	vand.u32 $0x7, v3;
	v4 =	vand.u32 $0xFFFFFFF0, v53  }
0xa5: {  	v3 =	vor.u32 v3, v4  }
0xa6: {  	v4 =	vperm.xlane v3, v0;
	_ =	sdelay $0x1  }
0xa7: {  	v3 =	vperm.xlane v3, v2;
	v4 =	vadd.s32 v1, v4;
	_ =	sdelay $0x1  }
0xa8: {  	v3 =	vadd.s32 v1, v3;
	_ =	sdelay $0x2  }
0xa9: {  	[tilespmem:s9], [sflag:$0x1] =	stream.indirect_vreg.gather [hbm4b:s2+s3], $0x80, v4, vm0, $0xb8;
	[tilespmem:$0xC180] =	vst v63  }
0xaa: {  	_ = 	snop  }
0xab: {  	[tilespmem:s10], [sflag:$0x1] =	stream.indirect_vreg.gather [hbm4b:s2+s3], $0x80, v3, vm0, $0xb8;
	[tilespmem:$0xC180] =	vst v63  }
0xac: {  	v3 =	vld [tilespmem:$0xE0];
	_ =	sdelay $0x4  }
0xad: {  	v54 =	vshll.u32 v3, $0x1  }
0xae: {  	v3 =	vand.u32 $0x7, v3;
	v4 =	vand.u32 $0xFFFFFFF0, v54  }
0xaf: {  	v3 =	vor.u32 v3, v4  }
0xb0: {  	v4 =	vperm.xlane v3, v0;
	_ =	sdelay $0x1  }
0xb1: {  	v3 =	vperm.xlane v3, v2;
	v4 =	vadd.s32 v1, v4;
	_ =	sdelay $0x1  }
0xb2: {  	v3 =	vadd.s32 v1, v3;
	_ =	sdelay $0x2  }
0xb3: {  	[tilespmem:s11], [sflag:$0x1] =	stream.indirect_vreg.gather [hbm4b:s2+s3], $0x80, v4, vm0, $0xb8;
	[tilespmem:$0xC180] =	vst v63  }
0xb4: {  	_ = 	snop  }
0xb5: {  	[tilespmem:s12], [sflag:$0x1] =	stream.indirect_vreg.gather [hbm4b:s2+s3], $0x80, v3, vm0, $0xb8;
	[tilespmem:$0xC180] =	vst v63  }
0xb6: {  	v3 =	vld [tilespmem:$0xF0];
	_ =	sdelay $0x4  }
0xb7: {  	v55 =	vshll.u32 v3, $0x1  }
0xb8: {  	v3 =	vand.u32 $0x7, v3;
	v4 =	vand.u32 $0xFFFFFFF0, v55  }
0xb9: {  	v3 =	vor.u32 v3, v4  }
0xba: {  	v4 =	vperm.xlane v3, v0;
	_ =	sdelay $0x1  }
0xbb: {  	v3 =	vperm.xlane v3, v2;
	v4 =	vadd.s32 v1, v4;
	_ =	sdelay $0x1  }
0xbc: {  	v3 =	vadd.s32 v1, v3;
	_ =	sdelay $0x2  }
0xbd: {  	[tilespmem:s13], [sflag:$0x1] =	stream.indirect_vreg.gather [hbm4b:s2+s3], $0x80, v4, vm0, $0xb8;
	[tilespmem:$0xC180] =	vst v63  }
0xbe: {  	_ = 	snop  }
0xbf: {  	[tilespmem:s14], [sflag:$0x1] =	stream.indirect_vreg.gather [hbm4b:s2+s3], $0x80, v3, vm0, $0xb8;
	[tilespmem:$0xC180] =	vst v63  }
0xc0: {  	v3 =	vld [tilespmem:$0x100];
	_ =	sdelay $0x4  }
0xc1: {  	v56 =	vshll.u32 v3, $0x1  }
0xc2: {  	v3 =	vand.u32 $0x7, v3;
	v4 =	vand.u32 $0xFFFFFFF0, v56  }
0xc3: {  	v3 =	vor.u32 v3, v4  }
0xc4: {  	v4 =	vperm.xlane v3, v0;
	_ =	sdelay $0x1  }
0xc5: {  	v3 =	vperm.xlane v3, v2;
	v4 =	vadd.s32 v1, v4;
	_ =	sdelay $0x1  }
0xc6: {  	v3 =	vadd.s32 v1, v3;
	_ =	sdelay $0x2  }
0xc7: {  	[tilespmem:s15], [sflag:$0x1] =	stream.indirect_vreg.gather [hbm4b:s2+s3], $0x80, v4, vm0, $0xb8;
	[tilespmem:$0xC180] =	vst v63  }
0xc8: {  	_ = 	snop  }
0xc9: {  	[tilespmem:s16], [sflag:$0x1] =	stream.indirect_vreg.gather [hbm4b:s2+s3], $0x80, v3, vm0, $0xb8;
	[tilespmem:$0xC180] =	vst v63  }
0xca: {  	v3 =	vld [tilespmem:$0x110];
	_ =	sdelay $0x4  }
0xcb: {  	v57 =	vshll.u32 v3, $0x1  }
0xcc: {  	v3 =	vand.u32 $0x7, v3;
	v4 =	vand.u32 $0xFFFFFFF0, v57  }
0xcd: {  	v3 =	vor.u32 v3, v4  }
0xce: {  	v4 =	vperm.xlane v3, v0;
	_ =	sdelay $0x1  }
0xcf: {  	v3 =	vperm.xlane v3, v2;
	v4 =	vadd.s32 v1, v4;
	_ =	sdelay $0x1  }
0xd0: {  	v3 =	vadd.s32 v1, v3;
	_ =	sdelay $0x2  }
0xd1: {  	[tilespmem:s17], [sflag:$0x1] =	stream.indirect_vreg.gather [hbm4b:s2+s3], $0x80, v4, vm0, $0xb8;
	[tilespmem:$0xC180] =	vst v63  }
0xd2: {  	_ = 	snop  }
0xd3: {  	[tilespmem:s18], [sflag:$0x1] =	stream.indirect_vreg.gather [hbm4b:s2+s3], $0x80, v3, vm0, $0xb8;
	[tilespmem:$0xC180] =	vst v63  }
0xd4: {  	_ =	swait.ge [sflag:s0], $0x6000  }
0xd5: {  	[sflag:s0] =	ssyncset.done $0x0  }
0xd6: {  	s8 =	rddreg [dreg:$0x5];
	[sflag:s0] =	ssyncadd.s32 $0xFFFFA000  }
0xd7: {  	[hbm4b:s8+s3] =	stream.linear.scatter [tilespmem:s19], [sflag:$0x3], $0x6000, $0x38;
	[tilespmem:$0xC180] =	vst v63  }
0xd8: {  	_ =	swait.ge [sflag:s6], $0x6000  }
0xd9: {  	[sflag:s6] =	ssyncset.done $0x0  }
0xda: {  	[sflag:s6] =	ssyncadd.s32 $0xFFFFA000  }
0xdb: {  	v3 =	vld [tilespmem:$0x120];
	_ =	sdelay $0x4  }
0xdc: {  	v58 =	vshll.u32 v3, $0x1  }
0xdd: {  	v3 =	vand.u32 $0x7, v3;
	v4 =	vand.u32 $0xFFFFFFF0, v58  }
0xde: {  	v3 =	vor.u32 v3, v4  }
0xdf: {  	v4 =	vperm.xlane v3, v0;
	_ =	sdelay $0x1  }
0xe0: {  	v3 =	vperm.xlane v3, v2;
	v4 =	vadd.s32 v1, v4;
	_ =	sdelay $0x1  }
0xe1: {  	v3 =	vadd.s32 v1, v3;
	_ =	sdelay $0x2  }
0xe2: {  	[tilespmem:s19], [sflag:$0x2] =	stream.indirect_vreg.gather [hbm4b:s2+s3], $0x80, v4, vm0, $0xb8;
	[tilespmem:$0xC180] =	vst v63  }
0xe3: {  	_ = 	snop  }
0xe4: {  	[tilespmem:s20], [sflag:$0x2] =	stream.indirect_vreg.gather [hbm4b:s2+s3], $0x80, v3, vm0, $0xb8;
	[tilespmem:$0xC180] =	vst v63  }
0xe5: {  	v3 =	vld [tilespmem:$0x130];
	_ =	sdelay $0x4  }
0xe6: {  	v59 =	vshll.u32 v3, $0x1  }
0xe7: {  	v3 =	vand.u32 $0x7, v3;
	v4 =	vand.u32 $0xFFFFFFF0, v59  }
0xe8: {  	v3 =	vor.u32 v3, v4  }
0xe9: {  	v4 =	vperm.xlane v3, v0;
	_ =	sdelay $0x1  }
0xea: {  	v3 =	vperm.xlane v3, v2;
	v4 =	vadd.s32 v1, v4;
	_ =	sdelay $0x1  }
0xeb: {  	v3 =	vadd.s32 v1, v3;
	_ =	sdelay $0x2  }
0xec: {  	[tilespmem:s21], [sflag:$0x2] =	stream.indirect_vreg.gather [hbm4b:s2+s3], $0x80, v4, vm0, $0xb8;
	[tilespmem:$0xC180] =	vst v63  }
0xed: {  	_ = 	snop  }
0xee: {  	[tilespmem:s22], [sflag:$0x2] =	stream.indirect_vreg.gather [hbm4b:s2+s3], $0x80, v3, vm0, $0xb8;
	[tilespmem:$0xC180] =	vst v63  }
0xef: {  	v3 =	vld [tilespmem:$0x140];
	_ =	sdelay $0x4  }
0xf0: {  	v60 =	vshll.u32 v3, $0x1  }
0xf1: {  	v3 =	vand.u32 $0x7, v3;
	v4 =	vand.u32 $0xFFFFFFF0, v60  }
0xf2: {  	v3 =	vor.u32 v3, v4  }
0xf3: {  	v4 =	vperm.xlane v3, v0;
	_ =	sdelay $0x1  }
0xf4: {  	v3 =	vperm.xlane v3, v2;
	v4 =	vadd.s32 v1, v4;
	_ =	sdelay $0x1  }
0xf5: {  	v3 =	vadd.s32 v1, v3;
	_ =	sdelay $0x2  }
0xf6: {  	[tilespmem:s23], [sflag:$0x2] =	stream.indirect_vreg.gather [hbm4b:s2+s3], $0x80, v4, vm0, $0xb8;
	[tilespmem:$0xC180] =	vst v63  }
0xf7: {  	_ = 	snop  }
0xf8: {  	[tilespmem:s24], [sflag:$0x2] =	stream.indirect_vreg.gather [hbm4b:s2+s3], $0x80, v3, vm0, $0xb8;
	[tilespmem:$0xC180] =	vst v63  }
0xf9: {  	v3 =	vld [tilespmem:$0x150];
	_ =	sdelay $0x4  }
0xfa: {  	v61 =	vshll.u32 v3, $0x1  }
0xfb: {  	v3 =	vand.u32 $0x7, v3;
	v4 =	vand.u32 $0xFFFFFFF0, v61  }
0xfc: {  	v3 =	vor.u32 v3, v4  }
0xfd: {  	v4 =	vperm.xlane v3, v0;
	_ =	sdelay $0x1  }
0xfe: {  	v3 =	vperm.xlane v3, v2;
	v4 =	vadd.s32 v1, v4;
	_ =	sdelay $0x1  }
0xff: {  	v3 =	vadd.s32 v1, v3;
	_ =	sdelay $0x2  }
0x100: {  	[tilespmem:s25], [sflag:$0x2] =	stream.indirect_vreg.gather [hbm4b:s2+s3], $0x80, v4, vm0, $0xb8;
	[tilespmem:$0xC180] =	vst v63  }
0x101: {  	_ = 	snop  }
0x102: {  	[tilespmem:s26], [sflag:$0x2] =	stream.indirect_vreg.gather [hbm4b:s2+s3], $0x80, v3, vm0, $0xb8;
	[tilespmem:$0xC180] =	vst v63  }
0x103: {  	v3 =	vld [tilespmem:$0x160];
	_ =	sdelay $0x4  }
0x104: {  	v62 =	vshll.u32 v3, $0x1  }
0x105: {  	v3 =	vand.u32 $0x7, v3;
	v4 =	vand.u32 $0xFFFFFFF0, v62  }
0x106: {  	v3 =	vor.u32 v3, v4  }
0x107: {  	v4 =	vperm.xlane v3, v0;
	_ =	sdelay $0x1  }
0x108: {  	v3 =	vperm.xlane v3, v2;
	v4 =	vadd.s32 v1, v4;
	_ =	sdelay $0x1  }
0x109: {  	v3 =	vadd.s32 v1, v3;
	_ =	sdelay $0x2  }
0x10a: {  	[tilespmem:s28], [sflag:$0x2] =	stream.indirect_vreg.gather [hbm4b:s2+s3], $0x80, v4, vm0, $0xb8;
	[tilespmem:$0xC180] =	vst v63  }
0x10b: {  	_ = 	snop  }
0x10c: {  	[tilespmem:s29], [sflag:$0x2] =	stream.indirect_vreg.gather [hbm4b:s2+s3], $0x80, v3, vm0, $0xb8;
	[tilespmem:$0xC180] =	vst v63  }
0x10d: {  	v3 =	vld [tilespmem:$0x170];
	_ =	sdelay $0x4  }
0x10e: {  	v63 =	vshll.u32 v3, $0x1  }
0x10f: {  	v3 =	vand.u32 $0x7, v3;
	v4 =	vand.u32 $0xFFFFFFF0, v63  }
0x110: {  	v3 =	vor.u32 v3, v4  }
0x111: {  	v4 =	vperm.xlane v3, v0;
	_ =	sdelay $0x1  }
0x112: {  	v3 =	vperm.xlane v3, v2;
	v4 =	vadd.s32 v1, v4;
	_ =	sdelay $0x1  }
0x113: {  	v3 =	vadd.s32 v1, v3;
	_ =	sdelay $0x2  }
0x114: {  	[tilespmem:s30], [sflag:$0x2] =	stream.indirect_vreg.gather [hbm4b:s2+s3], $0x80, v4, vm0, $0xb8;
	[tilespmem:$0xC180] =	vst v63  }
0x115: {  	_ = 	snop  }
0x116: {  	[tilespmem:s31], [sflag:$0x2] =	stream.indirect_vreg.gather [hbm4b:s2+s3], $0x80, v3, vm0, $0xb8;
	[tilespmem:$0xC180] =	vst v63  }
0x117: {  	_ =	swait.ge [sflag:s1], $0x6000  }
0x118: {  	[sflag:s1] =	ssyncset.done $0x0  }
0x119: {  	s8 =	rddreg [dreg:$0x6];
	[sflag:s1] =	ssyncadd.s32 $0xFFFFA000  }
0x11a: {  	[hbm4b:s8+s3] =	stream.linear.scatter [tilespmem:s7], [sflag:$0x3], $0x6000, $0x38;
	[tilespmem:$0xC180] =	vst v63  }
0x11b: {  	_ =	swait.ge [sflag:s6], $0x6000  }
0x11c: {  	[sflag:s6] =	ssyncset.done $0x0  }
0x11d: {  	[sflag:s6] =	ssyncadd.s32 $0xFFFFA000  }
0x11e: {  	_ =	swait.ge [sflag:s0], $0x6000  }
0x11f: {  	p0 =	sne.s32 s5, $0x1;
	[sflag:s0] =	ssyncset.done $0x0  }
.Ltmp0:
0x120: {  	s8 =	rddreg [dreg:$0x7];
	[sflag:s0] =	ssyncadd.s32 $0xFFFFA000;
	(pc) =	sbr.rel @p0 .LBB2_1-.Ltmp0, $4  }
0x121: {  	[hbm4b:s8+s3] =	stream.linear.scatter [tilespmem:s19], [sflag:$0x3], $0x6000, $0x38;
	[tilespmem:$0xC180] =	vst v63  }
0x122: {  	_ =	swait.ge [sflag:s6], $0x6000  }
0x123: {  	[sflag:s6] =	ssyncset.done $0x0  }
0x124: {  	s5 =	sadd.s32 $0xFFFFFFFF, s5;
	[sflag:s6] =	ssyncadd.s32 $0xFFFFA000  }
0x125: {  	_ =	sfence.sel $0x180000  }
0x126: {  	[bflag:$0x0] =	sbarrier.arrive $0xFFFF  }
0x127: {  	_ =	strace $0x90000047  }
0x128: {  	s0 =	stileid.u32;
	[bflag:$0x2] =	sbarrier.arrive $0xFFFF  }
0x129: {  	p0 =	sne.s32 s0, $0x0;
	s0 =	rddreg [dreg:$0x3]  }
0x12a: {  	s0 =	sadd.s32 @!p0 $0x100000, s0  }
0x12b: {  	[sflag:s0] =	ssyncadd.tile.s32 @!p0 $0x1;
	_ =	shalt  }
.Lfunc_end2:
_tile_overlayer_lowered:
.L_overlay_start_2:
0x12c: {  	(tag) =	ssettag $0x2  }
0x12d: {  	s0 =	rddreg [dreg:$0x0];
	s2 =	stileid.u32  }
0x12e: {  	s1 =	rddreg [dreg:$0x1];
	p0 =	sne.s32 s2, $0x0  }
0x12f: {  	s3 =	rddreg [dreg:$0x2];
	[bflag:$0x3] =	sbarrier.arrive $0xFFFF;
	s2 =	simm.s32 @!p0 $0x1C03  }
0x130: {  	[timem:s3], [sflag:s2] =	dma.local @!p0 [hbm:s0], s1  }
0x131: {  	s0 =	simm.s32 @!p0 $0x3  }
0x132: {  	_ =	swait.ge @!p0 [sflag:s0], s1  }
0x133: {  	s1 =	ssub.s32 @!p0 $0x0, s1;
	[sflag:s0] =	ssyncset.done @!p0 $0x0  }
0x134: {  	[sflag:s0] =	ssyncadd.s32 @!p0 s1  }
0x135: {  	[bflag:$0x3] =	sbarrier.arrive $0xFFFF  }
0x136: {  	_ =	shalt  }

</sc_bundles>
